<compile_context>
chip_gen: v7x
topology: tpu7x:2x2x1
jax: 0.10.2.dev20260603
libtpu: 0.0.44.dev20260713+nightly
codegen_flags: <defaults>
</compile_context>

<pallas_src>
import functools

import jax
import jax.numpy as jnp
from jax import lax
from jax.experimental import pallas as pl
from jax.experimental.pallas import tpu as pltpu
from jax.experimental.pallas import tpu_sc as plsc

N = 10000
E = 320000
D = 128
H = 32
C = 2

NC = 2
NS = 16
NW = NC * NS
CHUNK = 128
E_PAD = 327680
CPT = E_PAD // (NW * CHUNK)
EPT = CPT * CHUNK
NP = 10240
RPT = NP // NS

_mesh = plsc.VectorSubcoreMesh(core_axis_name="c", subcore_axis_name="s")


@functools.partial(
    pl.kernel,
    mesh=_mesh,
    out_type=jax.ShapeDtypeStruct((NW, NP), jnp.float32),
    scratch_types=[
        pltpu.VMEM((EPT,), jnp.int32),
        pltpu.VMEM((NP,), jnp.float32),
    ],
    compiler_params=pltpu.CompilerParams(needs_layout_passes=False),
)
def _deg_kernel(dst_hbm, out_hbm, dst_v, deg_v):
    c = lax.axis_index("c")
    s = lax.axis_index("s")
    wid = s * NC + c

    pltpu.sync_copy(dst_hbm.at[pl.ds(wid * EPT, EPT)], dst_v)

    zeros = jnp.zeros((16,), jnp.float32)

    def _zero(i, _):
        for u in range(4):
            deg_v[pl.ds(i * 64 + u * 16, 16)] = zeros
        return 0

    lax.fori_loop(0, NP // 64, _zero, 0)

    ones = jnp.full((16,), 1.0, jnp.float32)

    def _count(i, _):
        for u in range(4):
            idx = dst_v[pl.ds(i * 64 + u * 16, 16)]
            plsc.addupdate_scatter(deg_v, [idx], ones)
        return 0

    lax.fori_loop(0, EPT // 64, _count, 0)

    pltpu.sync_copy(deg_v, out_hbm.at[wid])


@functools.partial(
    pl.kernel,
    mesh=_mesh,
    out_type=jax.ShapeDtypeStruct((NC, NP, H), jnp.float32),
    scratch_types=[
        pltpu.VMEM((CPT, CHUNK), jnp.int32),
        pltpu.VMEM((CPT, CHUNK), jnp.int32),
        [pltpu.VMEM((CHUNK, H), jnp.float32) for _ in range(8)],
        pltpu.VMEM_SHARED((NP, H), jnp.float32),
        pltpu.VMEM_SHARED((NP, H), jnp.float32),
        [pltpu.SemaphoreType.DMA for _ in range(8)],
        [pltpu.SemaphoreType.DMA for _ in range(8)],
        pltpu.SemaphoreType.DMA,
    ],
    compiler_params=pltpu.CompilerParams(use_tc_tiling_on_sc=False),
)
def _seg_kernel(table_hbm, src_hbm, dst_hbm, zrows_hbm, out_hbm,
                src_v, dst_v, rows, acc_sh, tab_sh, gsem, ssem, stsem):
    c = lax.axis_index("c")
    s = lax.axis_index("s")
    wid = s * NC + c
    NB = 4

    cp1 = pltpu.async_copy(src_hbm.at[pl.ds(wid * CPT, CPT)], src_v, stsem)
    cp2 = pltpu.async_copy(dst_hbm.at[pl.ds(wid * CPT, CPT)], dst_v, stsem)
    cp3 = pltpu.async_copy(table_hbm.at[pl.ds(s * RPT, RPT)],
                           tab_sh.at[pl.ds(s * RPT, RPT)], stsem)
    cp4 = pltpu.async_copy(zrows_hbm, acc_sh.at[pl.ds(s * RPT, RPT)], stsem)
    cp1.wait()
    cp2.wait()
    cp3.wait()
    cp4.wait()
    plsc.subcore_barrier()

    NR = CPT // (2 * NB)
    bank_a = rows[:NB]
    bank_b = rows[NB:]

    def _gather(buf, gs, j):
        pltpu.async_copy(tab_sh.at[src_v.at[j]], buf, gs)

    def _wait_gather(buf, gs, j):
        pltpu.make_async_copy(tab_sh.at[src_v.at[j]], buf, gs).wait()

    def _scatter(buf, ss, j):
        pltpu.async_copy(buf, acc_sh.at[dst_v.at[j]], ss, add=True)

    def _wait_scatter(buf, ss, j):
        pltpu.make_async_copy(buf, acc_sh.at[dst_v.at[j]], ss).wait()

    for b in range(NB):
        _gather(bank_a[b], gsem[b], b)

    def _round(P, _):
        j0 = 2 * NB * P
        for b in range(NB):
            _wait_gather(bank_a[b], gsem[b], j0 + b)
            _scatter(bank_a[b], ssem[b], j0 + b)
        for b in range(NB):
            @pl.when(P > 0)
            def _():
                _wait_scatter(bank_b[b], ssem[NB + b], j0 - NB + b)
            _gather(bank_b[b], gsem[NB + b], j0 + NB + b)
        for b in range(NB):
            _wait_gather(bank_b[b], gsem[NB + b], j0 + NB + b)
            _scatter(bank_b[b], ssem[NB + b], j0 + NB + b)
        for b in range(NB):
            @pl.when(P < NR - 1)
            def _():
                _wait_scatter(bank_a[b], ssem[b], j0 + b)
                _gather(bank_a[b], gsem[b], j0 + 2 * NB + b)
        return 0

    lax.fori_loop(0, NR, _round, 0)

    for b in range(NB):
        _wait_scatter(bank_a[b], ssem[b], CPT - 2 * NB + b)
        _wait_scatter(bank_b[b], ssem[NB + b], CPT - NB + b)

    plsc.subcore_barrier()
    pltpu.sync_copy(acc_sh.at[pl.ds(s * RPT, RPT)],
                    out_hbm.at[c, pl.ds(s * RPT, RPT)])


@functools.partial(
    pl.kernel,
    mesh=_mesh,
    out_type=jax.ShapeDtypeStruct((NW, C, NP), jnp.float32),
    scratch_types=[
        pltpu.VMEM((EPT,), jnp.int32),
        pltpu.VMEM((EPT,), jnp.int32),
        pltpu.VMEM((NP,), jnp.float32),
        pltpu.VMEM((NP,), jnp.float32),
        pltpu.VMEM((NP,), jnp.float32),
        pltpu.VMEM((NP,), jnp.float32),
        pltpu.SemaphoreType.DMA,
    ],
    compiler_params=pltpu.CompilerParams(needs_layout_passes=False),
)
def _l2_kernel(t2t_hbm, src_hbm, dst_hbm, out_hbm,
               src_v, dst_v, tab0, tab1, acc0, acc1, stsem):
    c = lax.axis_index("c")
    s = lax.axis_index("s")
    wid = s * NC + c

    cp1 = pltpu.async_copy(src_hbm.at[pl.ds(wid * EPT, EPT)], src_v, stsem)
    cp2 = pltpu.async_copy(dst_hbm.at[pl.ds(wid * EPT, EPT)], dst_v, stsem)
    cp3 = pltpu.async_copy(t2t_hbm.at[0], tab0, stsem)
    cp4 = pltpu.async_copy(t2t_hbm.at[1], tab1, stsem)
    cp1.wait()
    cp2.wait()
    cp3.wait()
    cp4.wait()

    zeros = jnp.zeros((16,), jnp.float32)

    def _zero(i, _):
        for u in range(4):
            acc0[pl.ds(i * 64 + u * 16, 16)] = zeros
            acc1[pl.ds(i * 64 + u * 16, 16)] = zeros
        return 0

    lax.fori_loop(0, NP // 64, _zero, 0)

    def _edges(e, _):
        for u in range(4):
            sv = src_v[pl.ds(e * 64 + u * 16, 16)]
            dv = dst_v[pl.ds(e * 64 + u * 16, 16)]
            v0 = plsc.load_gather(tab0, [sv])
            plsc.addupdate_scatter(acc0, [dv], v0)
            v1 = plsc.load_gather(tab1, [sv])
            plsc.addupdate_scatter(acc1, [dv], v1)
        return 0

    lax.fori_loop(0, EPT // 64, _edges, 0)

    pltpu.sync_copy(acc0, out_hbm.at[wid, 0])
    pltpu.sync_copy(acc1, out_hbm.at[wid, 1])


BN = 1024


def _tc_b_body(degp_ref, x_ref, w1_ref, h1s_ref, dinv_ref):
    deg = jnp.sum(degp_ref[...], axis=0) + 1.0
    dinv = lax.rsqrt(deg)
    h = jnp.dot(x_ref[...], w1_ref[...], preferred_element_type=jnp.float32)
    h1s_ref[...] = h * dinv[:, None]
    dinv_ref[...] = dinv[:, None]


def _tc_d_body(acc_ref, h1s_ref, dinv_ref, b1_ref, w2_ref, t2t_ref, *,
               nblock):
    i = pl.program_id(0)
    ssum = acc_ref[0] + acc_ref[1] + h1s_ref[...]
    dinv = dinv_ref[...]
    a = jnp.maximum(dinv * ssum + b1_ref[...], 0.0) * dinv
    row = i * nblock + lax.broadcasted_iota(jnp.int32, (nblock, 1), 0)
    a1s = jnp.where(row < N, a, 0.0)
    t2t_ref[...] = jnp.dot(a1s, w2_ref[...],
                           preferred_element_type=jnp.float32).T


def _tc_e_body(acc_ref, t2t_ref, dinvt_ref, b2_ref, out_ref):
    ssum = jnp.sum(acc_ref[...], axis=0)
    o = dinvt_ref[...] * (ssum + t2t_ref[...]) + b2_ref[...]
    m = jnp.max(o, axis=0, keepdims=True)
    lse = m + jnp.log(jnp.sum(jnp.exp(o - m), axis=0, keepdims=True))
    out_ref[...] = o - lse


def _tc_b(deg_part, x_p, w1):
    grid = NP // BN
    return pl.pallas_call(
        _tc_b_body,
        grid=(grid,),
        in_specs=[
            pl.BlockSpec((NW, BN), lambda i: (0, i)),
            pl.BlockSpec((BN, D), lambda i: (i, 0)),
            pl.BlockSpec((D, H), lambda i: (0, 0)),
        ],
        out_specs=[
            pl.BlockSpec((BN, H), lambda i: (i, 0)),
            pl.BlockSpec((BN, 1), lambda i: (i, 0)),
        ],
        out_shape=[
            jax.ShapeDtypeStruct((NP, H), jnp.float32),
            jax.ShapeDtypeStruct((NP, 1), jnp.float32),
        ],
    )(deg_part, x_p, w1)


def _tc_d(acc1, h1s, dinv, b1, w2):
    grid = NP // BN
    return pl.pallas_call(
        functools.partial(_tc_d_body, nblock=BN),
        grid=(grid,),
        in_specs=[
            pl.BlockSpec((NC, BN, H), lambda i: (0, i, 0)),
            pl.BlockSpec((BN, H), lambda i: (i, 0)),
            pl.BlockSpec((BN, 1), lambda i: (i, 0)),
            pl.BlockSpec((1, H), lambda i: (0, 0)),
            pl.BlockSpec((H, C), lambda i: (0, 0)),
        ],
        out_specs=pl.BlockSpec((C, BN), lambda i: (0, i)),
        out_shape=jax.ShapeDtypeStruct((C, NP), jnp.float32),
    )(acc1, h1s, dinv, b1, w2)


def _tc_e(acc2p, t2t, dinvt, b2):
    grid = NP // BN
    return pl.pallas_call(
        _tc_e_body,
        grid=(grid,),
        in_specs=[
            pl.BlockSpec((NW, C, BN), lambda i: (0, 0, i)),
            pl.BlockSpec((C, BN), lambda i: (0, i)),
            pl.BlockSpec((1, BN), lambda i: (0, i)),
            pl.BlockSpec((C, 1), lambda i: (0, 0)),
        ],
        out_specs=pl.BlockSpec((C, BN), lambda i: (0, i)),
        out_shape=jax.ShapeDtypeStruct((C, NP), jnp.float32),
    )(acc2p, t2t, dinvt, b2)


@jax.jit
def kernel(x, edge_index, W1, b1, W2, b2):
    src = edge_index[0]
    dst = edge_index[1]
    pad = jnp.full((E_PAD - E,), N, jnp.int32)
    src_p = jnp.concatenate([src, pad]).reshape(E_PAD // CHUNK, CHUNK)
    dst_p = jnp.concatenate([dst, pad]).reshape(E_PAD // CHUNK, CHUNK)
    src_flat = src_p.reshape(E_PAD)
    dst_flat = dst_p.reshape(E_PAD)
    x_p = jnp.pad(x, ((0, NP - N), (0, 0)))
    zrows = jnp.zeros((RPT, H), jnp.float32)

    deg_part = _deg_kernel(dst_flat)
    h1s, dinv = _tc_b(deg_part, x_p, W1)
    acc1 = _seg_kernel(h1s, src_p, dst_p, zrows)
    t2t = _tc_d(acc1, h1s, dinv, b1.reshape(1, H), W2)
    acc2p = _l2_kernel(t2t, src_flat, dst_flat)
    out_t = _tc_e(acc2p, t2t, dinv.reshape(1, NP), b2.reshape(C, 1))
    return out_t[:, :N].T

# --- scband reference (transcript-rebuilt; emitter-appended) ---
"""Pipeline reference for scband-gcn-29025388986650 (READ-ONLY COPY).

The authoritative reference and input builder live on the scoring server;
editing this copy changes nothing except your own understanding.
"""

import jax, jax.numpy as jnp
import numpy as np

N = 10000
E = 320000
D = 128
H = 32
C = 2

def setup_inputs(seed: int = 0) -> dict:
    key = jax.random.key(seed)
    k1, k2, k3, k4 = jax.random.split(key, 4)
    x = jax.random.normal(k1, (N, D), dtype=jnp.float32)
    edge_index = jax.random.randint(k2, (2, E), 0, N, dtype=jnp.int32)
    W1 = jax.random.normal(k3, (D, H), dtype=jnp.float32) * (1.0 / np.sqrt(D))
    b1 = jnp.zeros((H,), dtype=jnp.float32)
    W2 = jax.random.normal(k4, (H, C), dtype=jnp.float32) * (1.0 / np.sqrt(H))
    b2 = jnp.zeros((C,), dtype=jnp.float32)
    return {"x": x, "edge_index": edge_index, "W1": W1, "b1": b1, "W2": W2, "b2": b2}

def _gcn_conv(x, edge_index, W, b):
    # PyG GCNConv: add self-loops, sym-normalize, linear transform, scatter-add
    n = x.shape[0]
    loop = jnp.arange(n, dtype=edge_index.dtype)
    src = jnp.concatenate([edge_index[0], loop])
    dst = jnp.concatenate([edge_index[1], loop])
    deg = jax.ops.segment_sum(jnp.ones_like(dst, dtype=x.dtype), dst, num_segments=n)
    dinv = jnp.where(deg > 0, 1.0 / jnp.sqrt(deg), 0.0)
    norm = dinv[src] * dinv[dst]
    h = x @ W
    msg = h[src] * norm[:, None]
    out = jax.ops.segment_sum(msg, dst, num_segments=n) + b
    return out

def reference(x, edge_index, W1, b1, W2, b2):
    h = jax.nn.relu(_gcn_conv(x, edge_index, W1, b1))
    # F.dropout(training=self.training): identity in eval mode
    o = _gcn_conv(h, edge_index, W2, b2)
    return jax.nn.log_softmax(o, axis=1)

if __name__ == "__main__":
    import jax
    _d = setup_inputs()
    print(jax.jit(kernel)(*tuple(_d.values())))

</pallas_src>

<mosaic_0001>
#map = affine_map<(d0, d1) -> (0)>
#map1 = affine_map<(d0, d1) -> (0, 0)>
module attributes {stable_mosaic.version = 14 : i64} {
  func.func @_deg_kernel(%arg0: i32, %arg1: i32, %arg2: memref<327680xi32, #tpu.memory_space<hbm>>, %arg3: memref<32x10240xf32, #tpu.memory_space<hbm>>, %arg4: memref<10240xi32, #tpu.memory_space<vmem>>, %arg5: memref<10240xf32, #tpu.memory_space<vmem>>) attributes {dimension_semantics = [#tpu.dimension_semantics<core_parallel>, #tpu.dimension_semantics<subcore_parallel>], iteration_bounds = array<i64: 2, 16>, scalar_prefetch = 0 : i64, scratch_operands = 2 : i64, tpu.core_type = #tpu.core_type<sc_vector_subcore>, window_params = [{transform_indices = #map}, {transform_indices = #map1}]} {
    %mul3A = arith.constant 2 : i32
    %mul3A_0 = arith.muli %arg1, %mul3A : i32
    %add3A = arith.addi %mul3A_0, %arg0 : i32
    %mul3A_1 = arith.constant 10240 : i32
    %mul3A_2 = arith.muli %add3A, %mul3A_1 : i32
    "tpu.region"() ({
      %run_scoped3A = tpu.sem_alloc : memref<!tpu.dma_semaphore, #tpu.memory_space<semaphore_mem>>
      %dma_start3A = tpu.memref_slice %arg2[%mul3A_2] : memref<327680xi32, #tpu.memory_space<hbm>> -> memref<10240xi32, #tpu.memory_space<hbm>>
      %dma_start3A_19 = tpu.memref_slice %arg2[%mul3A_2] : memref<327680xi32, #tpu.memory_space<hbm>> -> memref<10240xi32, #tpu.memory_space<hbm>>
      tpu.enqueue_dma source(%dma_start3A_19 : memref<10240xi32, #tpu.memory_space<hbm>>) target(%arg4 : memref<10240xi32, #tpu.memory_space<vmem>>) target_semaphore(%run_scoped3A : memref<!tpu.dma_semaphore, #tpu.memory_space<semaphore_mem>>)
      %dma_wait3A = tpu.memref_slice %arg2[%mul3A_2] : memref<327680xi32, #tpu.memory_space<hbm>> -> memref<10240xi32, #tpu.memory_space<hbm>>
      %dma_wait3A_20 = tpu.memref_slice %arg2[%mul3A_2] : memref<327680xi32, #tpu.memory_space<hbm>> -> memref<10240xi32, #tpu.memory_space<hbm>>
      tpu.wait_dma2 semaphore(%run_scoped3A : memref<!tpu.dma_semaphore, #tpu.memory_space<semaphore_mem>>) src(%dma_wait3A_20 : memref<10240xi32, #tpu.memory_space<hbm>>) dst(%arg4 : memref<10240xi32, #tpu.memory_space<vmem>>)
      tpu.yield
    }) : () -> ()
    %broadcast_in_dim3A = arith.constant 0.000000e+00 : f32
    %broadcast_in_dim3A_3 = vector.broadcast %broadcast_in_dim3A : f32 to vector<16xf32>
    %scan3A = arith.constant 0 : i32
    %scan3A_4 = arith.constant 0 : i32
    %scan3A_5 = arith.constant 160 : i32
    %scan3A_6 = arith.addi %scan3A_4, %scan3A_5 : i32
    %scan3A_7 = arith.constant 1 : i32
    %scan3A_8 = scf.for %scan3A_19 = %scan3A_4 to %scan3A_6 step %scan3A_7 iter_args(%scan3A_20 = %scan3A) -> (i32)  : i32 {
      %mul3A_21 = arith.constant 64 : i32
      %mul3A_22 = arith.muli %scan3A_19, %mul3A_21 : i32
      %add3A_23 = arith.constant 0 : i32
      %add3A_24 = arith.addi %mul3A_22, %add3A_23 : i32
      %swap3A = arith.index_cast %add3A_24 : i32 to index
      %swap3A_25 = tpu.vector_load %arg5[%swap3A] {strides = array<i32>} : memref<10240xf32, #tpu.memory_space<vmem>>, vector<16xf32>,
      tpu.vector_store %arg5[%swap3A], %broadcast_in_dim3A_3 {strides = array<i32>} : memref<10240xf32, #tpu.memory_space<vmem>>, vector<16xf32>,
      %mul3A_26 = arith.constant 64 : i32
      %mul3A_27 = arith.muli %scan3A_19, %mul3A_26 : i32
      %add3A_28 = arith.constant 16 : i32
      %add3A_29 = arith.addi %mul3A_27, %add3A_28 : i32
      %swap3A_30 = arith.index_cast %add3A_29 : i32 to index
      %swap3A_31 = tpu.vector_load %arg5[%swap3A_30] {strides = array<i32>} : memref<10240xf32, #tpu.memory_space<vmem>>, vector<16xf32>,
      tpu.vector_store %arg5[%swap3A_30], %broadcast_in_dim3A_3 {strides = array<i32>} : memref<10240xf32, #tpu.memory_space<vmem>>, vector<16xf32>,
      %mul3A_32 = arith.constant 64 : i32
      %mul3A_33 = arith.muli %scan3A_19, %mul3A_32 : i32
      %add3A_34 = arith.constant 32 : i32
      %add3A_35 = arith.addi %mul3A_33, %add3A_34 : i32
      %swap3A_36 = arith.index_cast %add3A_35 : i32 to index
      %swap3A_37 = tpu.vector_load %arg5[%swap3A_36] {strides = array<i32>} : memref<10240xf32, #tpu.memory_space<vmem>>, vector<16xf32>,
      tpu.vector_store %arg5[%swap3A_36], %broadcast_in_dim3A_3 {strides = array<i32>} : memref<10240xf32, #tpu.memory_space<vmem>>, vector<16xf32>,
      %mul3A_38 = arith.constant 64 : i32
      %mul3A_39 = arith.muli %scan3A_19, %mul3A_38 : i32
      %add3A_40 = arith.constant 48 : i32
      %add3A_41 = arith.addi %mul3A_39, %add3A_40 : i32
      %swap3A_42 = arith.index_cast %add3A_41 : i32 to index
      %swap3A_43 = tpu.vector_load %arg5[%swap3A_42] {strides = array<i32>} : memref<10240xf32, #tpu.memory_space<vmem>>, vector<16xf32>,
      tpu.vector_store %arg5[%swap3A_42], %broadcast_in_dim3A_3 {strides = array<i32>} : memref<10240xf32, #tpu.memory_space<vmem>>, vector<16xf32>,
      %scan3A_44 = arith.constant 0 : i32
      scf.yield %scan3A_44 : i32
    }
    %scan3A_9 = arith.constant 160 : i32
    %broadcast_in_dim3A_10 = arith.constant 1.000000e+00 : f32
    %broadcast_in_dim3A_11 = vector.broadcast %broadcast_in_dim3A_10 : f32 to vector<16xf32>
    %scan3A_12 = arith.constant 0 : i32
    %scan3A_13 = arith.constant 0 : i32
    %scan3A_14 = arith.constant 160 : i32
    %scan3A_15 = arith.addi %scan3A_13, %scan3A_14 : i32
    %scan3A_16 = arith.constant 1 : i32
    %scan3A_17 = scf.for %scan3A_19 = %scan3A_13 to %scan3A_15 step %scan3A_16 iter_args(%scan3A_20 = %scan3A_12) -> (i32)  : i32 {
      %mul3A_21 = arith.constant 64 : i32
      %mul3A_22 = arith.muli %scan3A_19, %mul3A_21 : i32
      %add3A_23 = arith.constant 0 : i32
      %add3A_24 = arith.addi %mul3A_22, %add3A_23 : i32
      %get3A = arith.index_cast %add3A_24 : i32 to index
      %get3A_25 = tpu.vector_load %arg4[%get3A] {strides = array<i32>} : memref<10240xi32, #tpu.memory_space<vmem>>, vector<16xi32>,
      tpu.vector_store_idx %arg5[%get3A_25], %broadcast_in_dim3A_11 {add = true} : memref<10240xf32, #tpu.memory_space<vmem>>[vector<16xi32>], vector<16xf32>,
      %mul3A_26 = arith.constant 64 : i32
      %mul3A_27 = arith.muli %scan3A_19, %mul3A_26 : i32
      %add3A_28 = arith.constant 16 : i32
      %add3A_29 = arith.addi %mul3A_27, %add3A_28 : i32
      %get3A_30 = arith.index_cast %add3A_29 : i32 to index
      %get3A_31 = tpu.vector_load %arg4[%get3A_30] {strides = array<i32>} : memref<10240xi32, #tpu.memory_space<vmem>>, vector<16xi32>,
      tpu.vector_store_idx %arg5[%get3A_31], %broadcast_in_dim3A_11 {add = true} : memref<10240xf32, #tpu.memory_space<vmem>>[vector<16xi32>], vector<16xf32>,
      %mul3A_32 = arith.constant 64 : i32
      %mul3A_33 = arith.muli %scan3A_19, %mul3A_32 : i32
      %add3A_34 = arith.constant 32 : i32
      %add3A_35 = arith.addi %mul3A_33, %add3A_34 : i32
      %get3A_36 = arith.index_cast %add3A_35 : i32 to index
      %get3A_37 = tpu.vector_load %arg4[%get3A_36] {strides = array<i32>} : memref<10240xi32, #tpu.memory_space<vmem>>, vector<16xi32>,
      tpu.vector_store_idx %arg5[%get3A_37], %broadcast_in_dim3A_11 {add = true} : memref<10240xf32, #tpu.memory_space<vmem>>[vector<16xi32>], vector<16xf32>,
      %mul3A_38 = arith.constant 64 : i32
      %mul3A_39 = arith.muli %scan3A_19, %mul3A_38 : i32
      %add3A_40 = arith.constant 48 : i32
      %add3A_41 = arith.addi %mul3A_39, %add3A_40 : i32
      %get3A_42 = arith.index_cast %add3A_41 : i32 to index
      %get3A_43 = tpu.vector_load %arg4[%get3A_42] {strides = array<i32>} : memref<10240xi32, #tpu.memory_space<vmem>>, vector<16xi32>,
      tpu.vector_store_idx %arg5[%get3A_43], %broadcast_in_dim3A_11 {add = true} : memref<10240xf32, #tpu.memory_space<vmem>>[vector<16xi32>], vector<16xf32>,
      %scan3A_44 = arith.constant 0 : i32
      scf.yield %scan3A_44 : i32
    }
    %scan3A_18 = arith.constant 160 : i32
    "tpu.region"() ({
      %run_scoped3A = tpu.sem_alloc : memref<!tpu.dma_semaphore, #tpu.memory_space<semaphore_mem>>
      %dma_start3A = arith.constant 0 : i32
      %dma_start3A_19 = tpu.memref_slice %arg3[%add3A, %dma_start3A] : memref<32x10240xf32, #tpu.memory_space<hbm>> -> memref<1x10240xf32, #tpu.memory_space<hbm>>
      %dma_start3A_20 = tpu.memref_squeeze %dma_start3A_19 : memref<1x10240xf32, #tpu.memory_space<hbm>> -> memref<10240xf32, #tpu.memory_space<hbm>>
      %dma_start3A_21 = arith.constant 0 : i32
      %dma_start3A_22 = tpu.memref_slice %arg3[%add3A, %dma_start3A_21] : memref<32x10240xf32, #tpu.memory_space<hbm>> -> memref<1x10240xf32, #tpu.memory_space<hbm>>
      %dma_start3A_23 = tpu.memref_squeeze %dma_start3A_22 : memref<1x10240xf32, #tpu.memory_space<hbm>> -> memref<10240xf32, #tpu.memory_space<hbm>>
      tpu.enqueue_dma source(%arg5 : memref<10240xf32, #tpu.memory_space<vmem>>) target(%dma_start3A_23 : memref<10240xf32, #tpu.memory_space<hbm>>) target_semaphore(%run_scoped3A : memref<!tpu.dma_semaphore, #tpu.memory_space<semaphore_mem>>)
      %dma_wait3A = arith.constant 0 : i32
      %dma_wait3A_24 = tpu.memref_slice %arg3[%add3A, %dma_wait3A] : memref<32x10240xf32, #tpu.memory_space<hbm>> -> memref<1x10240xf32, #tpu.memory_space<hbm>>
      %dma_wait3A_25 = tpu.memref_squeeze %dma_wait3A_24 : memref<1x10240xf32, #tpu.memory_space<hbm>> -> memref<10240xf32, #tpu.memory_space<hbm>>
      %dma_wait3A_26 = arith.constant 0 : i32
      %dma_wait3A_27 = tpu.memref_slice %arg3[%add3A, %dma_wait3A_26] : memref<32x10240xf32, #tpu.memory_space<hbm>> -> memref<1x10240xf32, #tpu.memory_space<hbm>>
      %dma_wait3A_28 = tpu.memref_squeeze %dma_wait3A_27 : memref<1x10240xf32, #tpu.memory_space<hbm>> -> memref<10240xf32, #tpu.memory_space<hbm>>
      tpu.wait_dma2 semaphore(%run_scoped3A : memref<!tpu.dma_semaphore, #tpu.memory_space<semaphore_mem>>) src(%arg5 : memref<10240xf32, #tpu.memory_space<vmem>>) dst(%dma_wait3A_28 : memref<10240xf32, #tpu.memory_space<hbm>>)
      tpu.yield
    }) : () -> ()
    return
  }
}

#map = affine_map<(d0, d1) -> (0, 0)>
#map1 = affine_map<(d0, d1) -> (0, 0, 0)>
module attributes {stable_mosaic.version = 14 : i64} {
  func.func @_seg_kernel(%arg0: i32, %arg1: i32, %arg2: memref<10240x32xf32, #tpu.memory_space<hbm>>, %arg3: memref<2560x128xi32, #tpu.memory_space<hbm>>, %arg4: memref<2560x128xi32, #tpu.memory_space<hbm>>, %arg5: memref<640x32xf32, #tpu.memory_space<hbm>>, %arg6: memref<2x10240x32xf32, #tpu.memory_space<hbm>>, %arg7: memref<80x128xi32, #tpu.memory_space<vmem>>, %arg8: memref<80x128xi32, #tpu.memory_space<vmem>>, %arg9: memref<128x32xf32, #tpu.memory_space<vmem>>, %arg10: memref<128x32xf32, #tpu.memory_space<vmem>>, %arg11: memref<128x32xf32, #tpu.memory_space<vmem>>, %arg12: memref<128x32xf32, #tpu.memory_space<vmem>>, %arg13: memref<128x32xf32, #tpu.memory_space<vmem>>, %arg14: memref<128x32xf32, #tpu.memory_space<vmem>>, %arg15: memref<128x32xf32, #tpu.memory_space<vmem>>, %arg16: memref<128x32xf32, #tpu.memory_space<vmem>>, %arg17: memref<10240x32xf32, #tpu.memory_space<vmem_shared>>, %arg18: memref<10240x32xf32, #tpu.memory_space<vmem_shared>>, %arg19: memref<!tpu.dma_semaphore, #tpu.memory_space<semaphore_mem>>, %arg20: memref<!tpu.dma_semaphore, #tpu.memory_space<semaphore_mem>>, %arg21: memref<!tpu.dma_semaphore, #tpu.memory_space<semaphore_mem>>, %arg22: memref<!tpu.dma_semaphore, #tpu.memory_space<semaphore_mem>>, %arg23: memref<!tpu.dma_semaphore, #tpu.memory_space<semaphore_mem>>, %arg24: memref<!tpu.dma_semaphore, #tpu.memory_space<semaphore_mem>>, %arg25: memref<!tpu.dma_semaphore, #tpu.memory_space<semaphore_mem>>, %arg26: memref<!tpu.dma_semaphore, #tpu.memory_space<semaphore_mem>>, %arg27: memref<!tpu.dma_semaphore, #tpu.memory_space<semaphore_mem>>, %arg28: memref<!tpu.dma_semaphore, #tpu.memory_space<semaphore_mem>>, %arg29: memref<!tpu.dma_semaphore, #tpu.memory_space<semaphore_mem>>, %arg30: memref<!tpu.dma_semaphore, #tpu.memory_space<semaphore_mem>>, %arg31: memref<!tpu.dma_semaphore, #tpu.memory_space<semaphore_mem>>, %arg32: memref<!tpu.dma_semaphore, #tpu.memory_space<semaphore_mem>>, %arg33: memref<!tpu.dma_semaphore, #tpu.memory_space<semaphore_mem>>, %arg34: memref<!tpu.dma_semaphore, #tpu.memory_space<semaphore_mem>>, %arg35: memref<!tpu.dma_semaphore, #tpu.memory_space<semaphore_mem>>) attributes {dimension_semantics = [#tpu.dimension_semantics<core_parallel>, #tpu.dimension_semantics<subcore_parallel>], iteration_bounds = array<i64: 2, 16>, scalar_prefetch = 0 : i64, scratch_operands = 29 : i64, tpu.core_type = #tpu.core_type<sc_vector_subcore>, window_params = [{transform_indices = #map}, {transform_indices = #map}, {transform_indices = #map}, {transform_indices = #map}, {transform_indices = #map1}]} {
    %mul3A = arith.constant 2 : i32
    %mul3A_0 = arith.muli %arg1, %mul3A : i32
    %add3A = arith.addi %mul3A_0, %arg0 : i32
    %mul3A_1 = arith.constant 80 : i32
    %mul3A_2 = arith.muli %add3A, %mul3A_1 : i32
    %dma_start3A = arith.constant 0 : i32
    %dma_start3A_3 = tpu.memref_slice %arg3[%mul3A_2, %dma_start3A] : memref<2560x128xi32, #tpu.memory_space<hbm>> -> memref<80x128xi32, #tpu.memory_space<hbm>>
    %dma_start3A_4 = arith.constant 0 : i32
    %dma_start3A_5 = tpu.memref_slice %arg3[%mul3A_2, %dma_start3A_4] : memref<2560x128xi32, #tpu.memory_space<hbm>> -> memref<80x128xi32, #tpu.memory_space<hbm>>
    tpu.enqueue_dma source(%dma_start3A_5 : memref<80x128xi32, #tpu.memory_space<hbm>>) target(%arg7 : memref<80x128xi32, #tpu.memory_space<vmem>>) target_semaphore(%arg35 : memref<!tpu.dma_semaphore, #tpu.memory_space<semaphore_mem>>)
    %mul3A_6 = arith.constant 80 : i32
    %mul3A_7 = arith.muli %add3A, %mul3A_6 : i32
    %dma_start3A_8 = arith.constant 0 : i32
    %dma_start3A_9 = tpu.memref_slice %arg4[%mul3A_7, %dma_start3A_8] : memref<2560x128xi32, #tpu.memory_space<hbm>> -> memref<80x128xi32, #tpu.memory_space<hbm>>
    %dma_start3A_10 = arith.constant 0 : i32
    %dma_start3A_11 = tpu.memref_slice %arg4[%mul3A_7, %dma_start3A_10] : memref<2560x128xi32, #tpu.memory_space<hbm>> -> memref<80x128xi32, #tpu.memory_space<hbm>>
    tpu.enqueue_dma source(%dma_start3A_11 : memref<80x128xi32, #tpu.memory_space<hbm>>) target(%arg8 : memref<80x128xi32, #tpu.memory_space<vmem>>) target_semaphore(%arg35 : memref<!tpu.dma_semaphore, #tpu.memory_space<semaphore_mem>>)
    %mul3A_12 = arith.constant 640 : i32
    %mul3A_13 = arith.muli %arg1, %mul3A_12 : i32
    %mul3A_14 = arith.constant 640 : i32
    %mul3A_15 = arith.muli %arg1, %mul3A_14 : i32
    %dma_start3A_16 = arith.constant 0 : i32
    %dma_start3A_17 = tpu.memref_slice %arg18[%mul3A_15, %dma_start3A_16] : memref<10240x32xf32, #tpu.memory_space<vmem_shared>> -> memref<640x32xf32, #tpu.memory_space<vmem_shared>>
    %dma_start3A_18 = arith.constant 0 : i32
    %dma_start3A_19 = tpu.memref_slice %arg2[%mul3A_13, %dma_start3A_18] : memref<10240x32xf32, #tpu.memory_space<hbm>> -> memref<640x32xf32, #tpu.memory_space<hbm>>
    tpu.enqueue_dma source(%dma_start3A_19 : memref<640x32xf32, #tpu.memory_space<hbm>>) target(%dma_start3A_17 : memref<640x32xf32, #tpu.memory_space<vmem_shared>>) target_semaphore(%arg35 : memref<!tpu.dma_semaphore, #tpu.memory_space<semaphore_mem>>)
    %mul3A_20 = arith.constant 640 : i32
    %mul3A_21 = arith.muli %arg1, %mul3A_20 : i32
    %dma_start3A_22 = arith.constant 0 : i32
    %dma_start3A_23 = tpu.memref_slice %arg17[%mul3A_21, %dma_start3A_22] : memref<10240x32xf32, #tpu.memory_space<vmem_shared>> -> memref<640x32xf32, #tpu.memory_space<vmem_shared>>
    tpu.enqueue_dma source(%arg5 : memref<640x32xf32, #tpu.memory_space<hbm>>) target(%dma_start3A_23 : memref<640x32xf32, #tpu.memory_space<vmem_shared>>) target_semaphore(%arg35 : memref<!tpu.dma_semaphore, #tpu.memory_space<semaphore_mem>>)
    %dma_wait3A = arith.constant 0 : i32
    %dma_wait3A_24 = tpu.memref_slice %arg3[%mul3A_2, %dma_wait3A] : memref<2560x128xi32, #tpu.memory_space<hbm>> -> memref<80x128xi32, #tpu.memory_space<hbm>>
    %dma_wait3A_25 = arith.constant 0 : i32
    %dma_wait3A_26 = tpu.memref_slice %arg3[%mul3A_2, %dma_wait3A_25] : memref<2560x128xi32, #tpu.memory_space<hbm>> -> memref<80x128xi32, #tpu.memory_space<hbm>>
    tpu.wait_dma2 semaphore(%arg35 : memref<!tpu.dma_semaphore, #tpu.memory_space<semaphore_mem>>) src(%dma_wait3A_26 : memref<80x128xi32, #tpu.memory_space<hbm>>) dst(%arg7 : memref<80x128xi32, #tpu.memory_space<vmem>>)
    %dma_wait3A_27 = arith.constant 0 : i32
    %dma_wait3A_28 = tpu.memref_slice %arg4[%mul3A_7, %dma_wait3A_27] : memref<2560x128xi32, #tpu.memory_space<hbm>> -> memref<80x128xi32, #tpu.memory_space<hbm>>
    %dma_wait3A_29 = arith.constant 0 : i32
    %dma_wait3A_30 = tpu.memref_slice %arg4[%mul3A_7, %dma_wait3A_29] : memref<2560x128xi32, #tpu.memory_space<hbm>> -> memref<80x128xi32, #tpu.memory_space<hbm>>
    tpu.wait_dma2 semaphore(%arg35 : memref<!tpu.dma_semaphore, #tpu.memory_space<semaphore_mem>>) src(%dma_wait3A_30 : memref<80x128xi32, #tpu.memory_space<hbm>>) dst(%arg8 : memref<80x128xi32, #tpu.memory_space<vmem>>)
    %dma_wait3A_31 = arith.constant 0 : i32
    %dma_wait3A_32 = tpu.memref_slice %arg18[%mul3A_15, %dma_wait3A_31] : memref<10240x32xf32, #tpu.memory_space<vmem_shared>> -> memref<640x32xf32, #tpu.memory_space<vmem_shared>>
    %dma_wait3A_33 = arith.constant 0 : i32
    %dma_wait3A_34 = tpu.memref_slice %arg2[%mul3A_13, %dma_wait3A_33] : memref<10240x32xf32, #tpu.memory_space<hbm>> -> memref<640x32xf32, #tpu.memory_space<hbm>>
    tpu.wait_dma2 semaphore(%arg35 : memref<!tpu.dma_semaphore, #tpu.memory_space<semaphore_mem>>) src(%dma_wait3A_34 : memref<640x32xf32, #tpu.memory_space<hbm>>) dst(%dma_wait3A_32 : memref<640x32xf32, #tpu.memory_space<vmem_shared>>)
    %dma_wait3A_35 = arith.constant 0 : i32
    %dma_wait3A_36 = tpu.memref_slice %arg17[%mul3A_21, %dma_wait3A_35] : memref<10240x32xf32, #tpu.memory_space<vmem_shared>> -> memref<640x32xf32, #tpu.memory_space<vmem_shared>>
    tpu.wait_dma2 semaphore(%arg35 : memref<!tpu.dma_semaphore, #tpu.memory_space<semaphore_mem>>) src(%arg5 : memref<640x32xf32, #tpu.memory_space<hbm>>) dst(%dma_wait3A_36 : memref<640x32xf32, #tpu.memory_space<vmem_shared>>)
    %barrier3A = arith.constant 0 : index
    tpu.barrier barrier_id(%barrier3A)
    %dma_start3A_37 = arith.constant 0 : i32
    %dma_start3A_38 = arith.constant 0 : i32
    %dma_start3A_39 = tpu.memref_slice %arg7[%dma_start3A_37, %dma_start3A_38] : memref<80x128xi32, #tpu.memory_space<vmem>> -> memref<1x128xi32, #tpu.memory_space<vmem>>
    %dma_start3A_40 = tpu.memref_squeeze %dma_start3A_39 : memref<1x128xi32, #tpu.memory_space<vmem>> -> memref<128xi32, #tpu.memory_space<vmem>>
    %dma_start3A_41 = arith.constant 0 : i32
    %dma_start3A_42 = arith.constant 0 : i32
    %dma_start3A_43 = tpu.memref_slice %arg18[%dma_start3A_41, %dma_start3A_42] : memref<10240x32xf32, #tpu.memory_space<vmem_shared>> -> memref<10240x32xf32, #tpu.memory_space<vmem_shared>>
    tpu.enqueue_indirect_dma source(%dma_start3A_43 : memref<10240x32xf32, #tpu.memory_space<vmem_shared>>) target(%arg9 : memref<128x32xf32, #tpu.memory_space<vmem>>) offsets(%dma_start3A_40 : memref<128xi32, #tpu.memory_space<vmem>>) semaphore(%arg19 : memref<!tpu.dma_semaphore, #tpu.memory_space<semaphore_mem>>)
    %dma_start3A_44 = arith.constant 1 : i32
    %dma_start3A_45 = arith.constant 0 : i32
    %dma_start3A_46 = tpu.memref_slice %arg7[%dma_start3A_44, %dma_start3A_45] : memref<80x128xi32, #tpu.memory_space<vmem>> -> memref<1x128xi32, #tpu.memory_space<vmem>>
    %dma_start3A_47 = tpu.memref_squeeze %dma_start3A_46 : memref<1x128xi32, #tpu.memory_space<vmem>> -> memref<128xi32, #tpu.memory_space<vmem>>
    %dma_start3A_48 = arith.constant 0 : i32
    %dma_start3A_49 = arith.constant 0 : i32
    %dma_start3A_50 = tpu.memref_slice %arg18[%dma_start3A_48, %dma_start3A_49] : memref<10240x32xf32, #tpu.memory_space<vmem_shared>> -> memref<10240x32xf32, #tpu.memory_space<vmem_shared>>
    tpu.enqueue_indirect_dma source(%dma_start3A_50 : memref<10240x32xf32, #tpu.memory_space<vmem_shared>>) target(%arg10 : memref<128x32xf32, #tpu.memory_space<vmem>>) offsets(%dma_start3A_47 : memref<128xi32, #tpu.memory_space<vmem>>) semaphore(%arg20 : memref<!tpu.dma_semaphore, #tpu.memory_space<semaphore_mem>>)
    %dma_start3A_51 = arith.constant 2 : i32
    %dma_start3A_52 = arith.constant 0 : i32
    %dma_start3A_53 = tpu.memref_slice %arg7[%dma_start3A_51, %dma_start3A_52] : memref<80x128xi32, #tpu.memory_space<vmem>> -> memref<1x128xi32, #tpu.memory_space<vmem>>
    %dma_start3A_54 = tpu.memref_squeeze %dma_start3A_53 : memref<1x128xi32, #tpu.memory_space<vmem>> -> memref<128xi32, #tpu.memory_space<vmem>>
    %dma_start3A_55 = arith.constant 0 : i32
    %dma_start3A_56 = arith.constant 0 : i32
    %dma_start3A_57 = tpu.memref_slice %arg18[%dma_start3A_55, %dma_start3A_56] : memref<10240x32xf32, #tpu.memory_space<vmem_shared>> -> memref<10240x32xf32, #tpu.memory_space<vmem_shared>>
    tpu.enqueue_indirect_dma source(%dma_start3A_57 : memref<10240x32xf32, #tpu.memory_space<vmem_shared>>) target(%arg11 : memref<128x32xf32, #tpu.memory_space<vmem>>) offsets(%dma_start3A_54 : memref<128xi32, #tpu.memory_space<vmem>>) semaphore(%arg21 : memref<!tpu.dma_semaphore, #tpu.memory_space<semaphore_mem>>)
    %dma_start3A_58 = arith.constant 3 : i32
    %dma_start3A_59 = arith.constant 0 : i32
    %dma_start3A_60 = tpu.memref_slice %arg7[%dma_start3A_58, %dma_start3A_59] : memref<80x128xi32, #tpu.memory_space<vmem>> -> memref<1x128xi32, #tpu.memory_space<vmem>>
    %dma_start3A_61 = tpu.memref_squeeze %dma_start3A_60 : memref<1x128xi32, #tpu.memory_space<vmem>> -> memref<128xi32, #tpu.memory_space<vmem>>
    %dma_start3A_62 = arith.constant 0 : i32
    %dma_start3A_63 = arith.constant 0 : i32
    %dma_start3A_64 = tpu.memref_slice %arg18[%dma_start3A_62, %dma_start3A_63] : memref<10240x32xf32, #tpu.memory_space<vmem_shared>> -> memref<10240x32xf32, #tpu.memory_space<vmem_shared>>
    tpu.enqueue_indirect_dma source(%dma_start3A_64 : memref<10240x32xf32, #tpu.memory_space<vmem_shared>>) target(%arg12 : memref<128x32xf32, #tpu.memory_space<vmem>>) offsets(%dma_start3A_61 : memref<128xi32, #tpu.memory_space<vmem>>) semaphore(%arg22 : memref<!tpu.dma_semaphore, #tpu.memory_space<semaphore_mem>>)
    %scan3A = arith.constant 0 : i32
    %scan3A_65 = arith.constant 0 : i32
    %scan3A_66 = arith.constant 10 : i32
    %scan3A_67 = arith.addi %scan3A_65, %scan3A_66 : i32
    %scan3A_68 = arith.constant 1 : i32
    %scan3A_69 = scf.for %scan3A_132 = %scan3A_65 to %scan3A_67 step %scan3A_68 iter_args(%scan3A_133 = %scan3A) -> (i32)  : i32 {
      %mul3A_134 = arith.constant 8 : i32
      %mul3A_135 = arith.muli %mul3A_134, %scan3A_132 : i32
      %add3A_136 = arith.constant 0 : i32
      %add3A_137 = arith.addi %mul3A_135, %add3A_136 : i32
      %dma_wait3A_138 = arith.constant 0 : i32
      %dma_wait3A_139 = tpu.memref_slice %arg7[%add3A_137, %dma_wait3A_138] : memref<80x128xi32, #tpu.memory_space<vmem>> -> memref<1x128xi32, #tpu.memory_space<vmem>>
      %dma_wait3A_140 = tpu.memref_squeeze %dma_wait3A_139 : memref<1x128xi32, #tpu.memory_space<vmem>> -> memref<128xi32, #tpu.memory_space<vmem>>
      %dma_wait3A_141 = arith.constant 0 : i32
      %dma_wait3A_142 = arith.constant 0 : i32
      %dma_wait3A_143 = tpu.memref_slice %arg18[%dma_wait3A_141, %dma_wait3A_142] : memref<10240x32xf32, #tpu.memory_space<vmem_shared>> -> memref<10240x32xf32, #tpu.memory_space<vmem_shared>>
      tpu.wait_indirect_dma semaphore(%arg19 : memref<!tpu.dma_semaphore, #tpu.memory_space<semaphore_mem>>) src(%dma_wait3A_143 : memref<10240x32xf32, #tpu.memory_space<vmem_shared>>) dst(%arg9 : memref<128x32xf32, #tpu.memory_space<vmem>>)
      %add3A_144 = arith.constant 0 : i32
      %add3A_145 = arith.addi %mul3A_135, %add3A_144 : i32
      %dma_start3A_146 = arith.constant 0 : i32
      %dma_start3A_147 = tpu.memref_slice %arg8[%add3A_145, %dma_start3A_146] : memref<80x128xi32, #tpu.memory_space<vmem>> -> memref<1x128xi32, #tpu.memory_space<vmem>>
      %dma_start3A_148 = tpu.memref_squeeze %dma_start3A_147 : memref<1x128xi32, #tpu.memory_space<vmem>> -> memref<128xi32, #tpu.memory_space<vmem>>
      %dma_start3A_149 = arith.constant 0 : i32
      %dma_start3A_150 = arith.constant 0 : i32
      %dma_start3A_151 = tpu.memref_slice %arg17[%dma_start3A_149, %dma_start3A_150] : memref<10240x32xf32, #tpu.memory_space<vmem_shared>> -> memref<10240x32xf32, #tpu.memory_space<vmem_shared>>
      tpu.enqueue_indirect_dma source(%arg9 : memref<128x32xf32, #tpu.memory_space<vmem>>) target(%dma_start3A_151 : memref<10240x32xf32, #tpu.memory_space<vmem_shared>>) offsets(%dma_start3A_148 : memref<128xi32, #tpu.memory_space<vmem>>) semaphore(%arg27 : memref<!tpu.dma_semaphore, #tpu.memory_space<semaphore_mem>>) {add = true}
      %add3A_152 = arith.constant 1 : i32
      %add3A_153 = arith.addi %mul3A_135, %add3A_152 : i32
      %dma_wait3A_154 = arith.constant 0 : i32
      %dma_wait3A_155 = tpu.memref_slice %arg7[%add3A_153, %dma_wait3A_154] : memref<80x128xi32, #tpu.memory_space<vmem>> -> memref<1x128xi32, #tpu.memory_space<vmem>>
      %dma_wait3A_156 = tpu.memref_squeeze %dma_wait3A_155 : memref<1x128xi32, #tpu.memory_space<vmem>> -> memref<128xi32, #tpu.memory_space<vmem>>
      %dma_wait3A_157 = arith.constant 0 : i32
      %dma_wait3A_158 = arith.constant 0 : i32
      %dma_wait3A_159 = tpu.memref_slice %arg18[%dma_wait3A_157, %dma_wait3A_158] : memref<10240x32xf32, #tpu.memory_space<vmem_shared>> -> memref<10240x32xf32, #tpu.memory_space<vmem_shared>>
      tpu.wait_indirect_dma semaphore(%arg20 : memref<!tpu.dma_semaphore, #tpu.memory_space<semaphore_mem>>) src(%dma_wait3A_159 : memref<10240x32xf32, #tpu.memory_space<vmem_shared>>) dst(%arg10 : memref<128x32xf32, #tpu.memory_space<vmem>>)
      %add3A_160 = arith.constant 1 : i32
      %add3A_161 = arith.addi %mul3A_135, %add3A_160 : i32
      %dma_start3A_162 = arith.constant 0 : i32
      %dma_start3A_163 = tpu.memref_slice %arg8[%add3A_161, %dma_start3A_162] : memref<80x128xi32, #tpu.memory_space<vmem>> -> memref<1x128xi32, #tpu.memory_space<vmem>>
      %dma_start3A_164 = tpu.memref_squeeze %dma_start3A_163 : memref<1x128xi32, #tpu.memory_space<vmem>> -> memref<128xi32, #tpu.memory_space<vmem>>
      %dma_start3A_165 = arith.constant 0 : i32
      %dma_start3A_166 = arith.constant 0 : i32
      %dma_start3A_167 = tpu.memref_slice %arg17[%dma_start3A_165, %dma_start3A_166] : memref<10240x32xf32, #tpu.memory_space<vmem_shared>> -> memref<10240x32xf32, #tpu.memory_space<vmem_shared>>
      tpu.enqueue_indirect_dma source(%arg10 : memref<128x32xf32, #tpu.memory_space<vmem>>) target(%dma_start3A_167 : memref<10240x32xf32, #tpu.memory_space<vmem_shared>>) offsets(%dma_start3A_164 : memref<128xi32, #tpu.memory_space<vmem>>) semaphore(%arg28 : memref<!tpu.dma_semaphore, #tpu.memory_space<semaphore_mem>>) {add = true}
      %add3A_168 = arith.constant 2 : i32
      %add3A_169 = arith.addi %mul3A_135, %add3A_168 : i32
      %dma_wait3A_170 = arith.constant 0 : i32
      %dma_wait3A_171 = tpu.memref_slice %arg7[%add3A_169, %dma_wait3A_170] : memref<80x128xi32, #tpu.memory_space<vmem>> -> memref<1x128xi32, #tpu.memory_space<vmem>>
      %dma_wait3A_172 = tpu.memref_squeeze %dma_wait3A_171 : memref<1x128xi32, #tpu.memory_space<vmem>> -> memref<128xi32, #tpu.memory_space<vmem>>
      %dma_wait3A_173 = arith.constant 0 : i32
      %dma_wait3A_174 = arith.constant 0 : i32
      %dma_wait3A_175 = tpu.memref_slice %arg18[%dma_wait3A_173, %dma_wait3A_174] : memref<10240x32xf32, #tpu.memory_space<vmem_shared>> -> memref<10240x32xf32, #tpu.memory_space<vmem_shared>>
      tpu.wait_indirect_dma semaphore(%arg21 : memref<!tpu.dma_semaphore, #tpu.memory_space<semaphore_mem>>) src(%dma_wait3A_175 : memref<10240x32xf32, #tpu.memory_space<vmem_shared>>) dst(%arg11 : memref<128x32xf32, #tpu.memory_space<vmem>>)
      %add3A_176 = arith.constant 2 : i32
      %add3A_177 = arith.addi %mul3A_135, %add3A_176 : i32
      %dma_start3A_178 = arith.constant 0 : i32
      %dma_start3A_179 = tpu.memref_slice %arg8[%add3A_177, %dma_start3A_178] : memref<80x128xi32, #tpu.memory_space<vmem>> -> memref<1x128xi32, #tpu.memory_space<vmem>>
      %dma_start3A_180 = tpu.memref_squeeze %dma_start3A_179 : memref<1x128xi32, #tpu.memory_space<vmem>> -> memref<128xi32, #tpu.memory_space<vmem>>
      %dma_start3A_181 = arith.constant 0 : i32
      %dma_start3A_182 = arith.constant 0 : i32
      %dma_start3A_183 = tpu.memref_slice %arg17[%dma_start3A_181, %dma_start3A_182] : memref<10240x32xf32, #tpu.memory_space<vmem_shared>> -> memref<10240x32xf32, #tpu.memory_space<vmem_shared>>
      tpu.enqueue_indirect_dma source(%arg11 : memref<128x32xf32, #tpu.memory_space<vmem>>) target(%dma_start3A_183 : memref<10240x32xf32, #tpu.memory_space<vmem_shared>>) offsets(%dma_start3A_180 : memref<128xi32, #tpu.memory_space<vmem>>) semaphore(%arg29 : memref<!tpu.dma_semaphore, #tpu.memory_space<semaphore_mem>>) {add = true}
      %add3A_184 = arith.constant 3 : i32
      %add3A_185 = arith.addi %mul3A_135, %add3A_184 : i32
      %dma_wait3A_186 = arith.constant 0 : i32
      %dma_wait3A_187 = tpu.memref_slice %arg7[%add3A_185, %dma_wait3A_186] : memref<80x128xi32, #tpu.memory_space<vmem>> -> memref<1x128xi32, #tpu.memory_space<vmem>>
      %dma_wait3A_188 = tpu.memref_squeeze %dma_wait3A_187 : memref<1x128xi32, #tpu.memory_space<vmem>> -> memref<128xi32, #tpu.memory_space<vmem>>
      %dma_wait3A_189 = arith.constant 0 : i32
      %dma_wait3A_190 = arith.constant 0 : i32
      %dma_wait3A_191 = tpu.memref_slice %arg18[%dma_wait3A_189, %dma_wait3A_190] : memref<10240x32xf32, #tpu.memory_space<vmem_shared>> -> memref<10240x32xf32, #tpu.memory_space<vmem_shared>>
      tpu.wait_indirect_dma semaphore(%arg22 : memref<!tpu.dma_semaphore, #tpu.memory_space<semaphore_mem>>) src(%dma_wait3A_191 : memref<10240x32xf32, #tpu.memory_space<vmem_shared>>) dst(%arg12 : memref<128x32xf32, #tpu.memory_space<vmem>>)
      %add3A_192 = arith.constant 3 : i32
      %add3A_193 = arith.addi %mul3A_135, %add3A_192 : i32
      %dma_start3A_194 = arith.constant 0 : i32
      %dma_start3A_195 = tpu.memref_slice %arg8[%add3A_193, %dma_start3A_194] : memref<80x128xi32, #tpu.memory_space<vmem>> -> memref<1x128xi32, #tpu.memory_space<vmem>>
      %dma_start3A_196 = tpu.memref_squeeze %dma_start3A_195 : memref<1x128xi32, #tpu.memory_space<vmem>> -> memref<128xi32, #tpu.memory_space<vmem>>
      %dma_start3A_197 = arith.constant 0 : i32
      %dma_start3A_198 = arith.constant 0 : i32
      %dma_start3A_199 = tpu.memref_slice %arg17[%dma_start3A_197, %dma_start3A_198] : memref<10240x32xf32, #tpu.memory_space<vmem_shared>> -> memref<10240x32xf32, #tpu.memory_space<vmem_shared>>
      tpu.enqueue_indirect_dma source(%arg12 : memref<128x32xf32, #tpu.memory_space<vmem>>) target(%dma_start3A_199 : memref<10240x32xf32, #tpu.memory_space<vmem_shared>>) offsets(%dma_start3A_196 : memref<128xi32, #tpu.memory_space<vmem>>) semaphore(%arg30 : memref<!tpu.dma_semaphore, #tpu.memory_space<semaphore_mem>>) {add = true}
      %gt3A = arith.constant 0 : i32
      %gt3A_200 = arith.cmpi sgt, %scan3A_132, %gt3A : i32
      %convert_element_type3A = arith.extui %gt3A_200 : i1 to i32
      %cond3A = arith.constant 0 : i32
      %cond3A_201 = arith.cmpi ne, %convert_element_type3A, %cond3A : i32
      scf.if %cond3A_201 {
        %sub3A = arith.constant 4 : i32
        %sub3A_357 = arith.subi %mul3A_135, %sub3A : i32
        %add3A_358 = arith.constant 0 : i32
        %add3A_359 = arith.addi %sub3A_357, %add3A_358 : i32
        %dma_wait3A_360 = arith.constant 0 : i32
        %dma_wait3A_361 = tpu.memref_slice %arg8[%add3A_359, %dma_wait3A_360] : memref<80x128xi32, #tpu.memory_space<vmem>> -> memref<1x128xi32, #tpu.memory_space<vmem>>
        %dma_wait3A_362 = tpu.memref_squeeze %dma_wait3A_361 : memref<1x128xi32, #tpu.memory_space<vmem>> -> memref<128xi32, #tpu.memory_space<vmem>>
        %dma_wait3A_363 = arith.constant 0 : i32
        %dma_wait3A_364 = arith.constant 0 : i32
        %dma_wait3A_365 = tpu.memref_slice %arg17[%dma_wait3A_363, %dma_wait3A_364] : memref<10240x32xf32, #tpu.memory_space<vmem_shared>> -> memref<10240x32xf32, #tpu.memory_space<vmem_shared>>
        tpu.wait_indirect_dma semaphore(%arg31 : memref<!tpu.dma_semaphore, #tpu.memory_space<semaphore_mem>>) src(%arg13 : memref<128x32xf32, #tpu.memory_space<vmem>>) dst(%dma_wait3A_365 : memref<10240x32xf32, #tpu.memory_space<vmem_shared>>)
      } else {
      }
      %add3A_202 = arith.constant 4 : i32
      %add3A_203 = arith.addi %mul3A_135, %add3A_202 : i32
      %add3A_204 = arith.constant 0 : i32
      %add3A_205 = arith.addi %add3A_203, %add3A_204 : i32
      %dma_start3A_206 = arith.constant 0 : i32
      %dma_start3A_207 = tpu.memref_slice %arg7[%add3A_205, %dma_start3A_206] : memref<80x128xi32, #tpu.memory_space<vmem>> -> memref<1x128xi32, #tpu.memory_space<vmem>>
      %dma_start3A_208 = tpu.memref_squeeze %dma_start3A_207 : memref<1x128xi32, #tpu.memory_space<vmem>> -> memref<128xi32, #tpu.memory_space<vmem>>
      %dma_start3A_209 = arith.constant 0 : i32
      %dma_start3A_210 = arith.constant 0 : i32
      %dma_start3A_211 = tpu.memref_slice %arg18[%dma_start3A_209, %dma_start3A_210] : memref<10240x32xf32, #tpu.memory_space<vmem_shared>> -> memref<10240x32xf32, #tpu.memory_space<vmem_shared>>
      tpu.enqueue_indirect_dma source(%dma_start3A_211 : memref<10240x32xf32, #tpu.memory_space<vmem_shared>>) target(%arg13 : memref<128x32xf32, #tpu.memory_space<vmem>>) offsets(%dma_start3A_208 : memref<128xi32, #tpu.memory_space<vmem>>) semaphore(%arg23 : memref<!tpu.dma_semaphore, #tpu.memory_space<semaphore_mem>>)
      %gt3A_212 = arith.constant 0 : i32
      %gt3A_213 = arith.cmpi sgt, %scan3A_132, %gt3A_212 : i32
      %convert_element_type3A_214 = arith.extui %gt3A_213 : i1 to i32
      %cond3A_215 = arith.constant 0 : i32
      %cond3A_216 = arith.cmpi ne, %convert_element_type3A_214, %cond3A_215 : i32
      scf.if %cond3A_216 {
        %sub3A = arith.constant 4 : i32
        %sub3A_357 = arith.subi %mul3A_135, %sub3A : i32
        %add3A_358 = arith.constant 1 : i32
        %add3A_359 = arith.addi %sub3A_357, %add3A_358 : i32
        %dma_wait3A_360 = arith.constant 0 : i32
        %dma_wait3A_361 = tpu.memref_slice %arg8[%add3A_359, %dma_wait3A_360] : memref<80x128xi32, #tpu.memory_space<vmem>> -> memref<1x128xi32, #tpu.memory_space<vmem>>
        %dma_wait3A_362 = tpu.memref_squeeze %dma_wait3A_361 : memref<1x128xi32, #tpu.memory_space<vmem>> -> memref<128xi32, #tpu.memory_space<vmem>>
        %dma_wait3A_363 = arith.constant 0 : i32
        %dma_wait3A_364 = arith.constant 0 : i32
        %dma_wait3A_365 = tpu.memref_slice %arg17[%dma_wait3A_363, %dma_wait3A_364] : memref<10240x32xf32, #tpu.memory_space<vmem_shared>> -> memref<10240x32xf32, #tpu.memory_space<vmem_shared>>
        tpu.wait_indirect_dma semaphore(%arg32 : memref<!tpu.dma_semaphore, #tpu.memory_space<semaphore_mem>>) src(%arg14 : memref<128x32xf32, #tpu.memory_space<vmem>>) dst(%dma_wait3A_365 : memref<10240x32xf32, #tpu.memory_space<vmem_shared>>)
      } else {
      }
      %add3A_217 = arith.constant 4 : i32
      %add3A_218 = arith.addi %mul3A_135, %add3A_217 : i32
      %add3A_219 = arith.constant 1 : i32
      %add3A_220 = arith.addi %add3A_218, %add3A_219 : i32
      %dma_start3A_221 = arith.constant 0 : i32
      %dma_start3A_222 = tpu.memref_slice %arg7[%add3A_220, %dma_start3A_221] : memref<80x128xi32, #tpu.memory_space<vmem>> -> memref<1x128xi32, #tpu.memory_space<vmem>>
      %dma_start3A_223 = tpu.memref_squeeze %dma_start3A_222 : memref<1x128xi32, #tpu.memory_space<vmem>> -> memref<128xi32, #tpu.memory_space<vmem>>
      %dma_start3A_224 = arith.constant 0 : i32
      %dma_start3A_225 = arith.constant 0 : i32
      %dma_start3A_226 = tpu.memref_slice %arg18[%dma_start3A_224, %dma_start3A_225] : memref<10240x32xf32, #tpu.memory_space<vmem_shared>> -> memref<10240x32xf32, #tpu.memory_space<vmem_shared>>
      tpu.enqueue_indirect_dma source(%dma_start3A_226 : memref<10240x32xf32, #tpu.memory_space<vmem_shared>>) target(%arg14 : memref<128x32xf32, #tpu.memory_space<vmem>>) offsets(%dma_start3A_223 : memref<128xi32, #tpu.memory_space<vmem>>) semaphore(%arg24 : memref<!tpu.dma_semaphore, #tpu.memory_space<semaphore_mem>>)
      %gt3A_227 = arith.constant 0 : i32
      %gt3A_228 = arith.cmpi sgt, %scan3A_132, %gt3A_227 : i32
      %convert_element_type3A_229 = arith.extui %gt3A_228 : i1 to i32
      %cond3A_230 = arith.constant 0 : i32
      %cond3A_231 = arith.cmpi ne, %convert_element_type3A_229, %cond3A_230 : i32
      scf.if %cond3A_231 {
        %sub3A = arith.constant 4 : i32
        %sub3A_357 = arith.subi %mul3A_135, %sub3A : i32
        %add3A_358 = arith.constant 2 : i32
        %add3A_359 = arith.addi %sub3A_357, %add3A_358 : i32
        %dma_wait3A_360 = arith.constant 0 : i32
        %dma_wait3A_361 = tpu.memref_slice %arg8[%add3A_359, %dma_wait3A_360] : memref<80x128xi32, #tpu.memory_space<vmem>> -> memref<1x128xi32, #tpu.memory_space<vmem>>
        %dma_wait3A_362 = tpu.memref_squeeze %dma_wait3A_361 : memref<1x128xi32, #tpu.memory_space<vmem>> -> memref<128xi32, #tpu.memory_space<vmem>>
        %dma_wait3A_363 = arith.constant 0 : i32
        %dma_wait3A_364 = arith.constant 0 : i32
        %dma_wait3A_365 = tpu.memref_slice %arg17[%dma_wait3A_363, %dma_wait3A_364] : memref<10240x32xf32, #tpu.memory_space<vmem_shared>> -> memref<10240x32xf32, #tpu.memory_space<vmem_shared>>
        tpu.wait_indirect_dma semaphore(%arg33 : memref<!tpu.dma_semaphore, #tpu.memory_space<semaphore_mem>>) src(%arg15 : memref<128x32xf32, #tpu.memory_space<vmem>>) dst(%dma_wait3A_365 : memref<10240x32xf32, #tpu.memory_space<vmem_shared>>)
      } else {
      }
      %add3A_232 = arith.constant 4 : i32
      %add3A_233 = arith.addi %mul3A_135, %add3A_232 : i32
      %add3A_234 = arith.constant 2 : i32
      %add3A_235 = arith.addi %add3A_233, %add3A_234 : i32
      %dma_start3A_236 = arith.constant 0 : i32
      %dma_start3A_237 = tpu.memref_slice %arg7[%add3A_235, %dma_start3A_236] : memref<80x128xi32, #tpu.memory_space<vmem>> -> memref<1x128xi32, #tpu.memory_space<vmem>>
      %dma_start3A_238 = tpu.memref_squeeze %dma_start3A_237 : memref<1x128xi32, #tpu.memory_space<vmem>> -> memref<128xi32, #tpu.memory_space<vmem>>
      %dma_start3A_239 = arith.constant 0 : i32
      %dma_start3A_240 = arith.constant 0 : i32
      %dma_start3A_241 = tpu.memref_slice %arg18[%dma_start3A_239, %dma_start3A_240] : memref<10240x32xf32, #tpu.memory_space<vmem_shared>> -> memref<10240x32xf32, #tpu.memory_space<vmem_shared>>
      tpu.enqueue_indirect_dma source(%dma_start3A_241 : memref<10240x32xf32, #tpu.memory_space<vmem_shared>>) target(%arg15 : memref<128x32xf32, #tpu.memory_space<vmem>>) offsets(%dma_start3A_238 : memref<128xi32, #tpu.memory_space<vmem>>) semaphore(%arg25 : memref<!tpu.dma_semaphore, #tpu.memory_space<semaphore_mem>>)
      %gt3A_242 = arith.constant 0 : i32
      %gt3A_243 = arith.cmpi sgt, %scan3A_132, %gt3A_242 : i32
      %convert_element_type3A_244 = arith.extui %gt3A_243 : i1 to i32
      %cond3A_245 = arith.constant 0 : i32
      %cond3A_246 = arith.cmpi ne, %convert_element_type3A_244, %cond3A_245 : i32
      scf.if %cond3A_246 {
        %sub3A = arith.constant 4 : i32
        %sub3A_357 = arith.subi %mul3A_135, %sub3A : i32
        %add3A_358 = arith.constant 3 : i32
        %add3A_359 = arith.addi %sub3A_357, %add3A_358 : i32
        %dma_wait3A_360 = arith.constant 0 : i32
        %dma_wait3A_361 = tpu.memref_slice %arg8[%add3A_359, %dma_wait3A_360] : memref<80x128xi32, #tpu.memory_space<vmem>> -> memref<1x128xi32, #tpu.memory_space<vmem>>
        %dma_wait3A_362 = tpu.memref_squeeze %dma_wait3A_361 : memref<1x128xi32, #tpu.memory_space<vmem>> -> memref<128xi32, #tpu.memory_space<vmem>>
        %dma_wait3A_363 = arith.constant 0 : i32
        %dma_wait3A_364 = arith.constant 0 : i32
        %dma_wait3A_365 = tpu.memref_slice %arg17[%dma_wait3A_363, %dma_wait3A_364] : memref<10240x32xf32, #tpu.memory_space<vmem_shared>> -> memref<10240x32xf32, #tpu.memory_space<vmem_shared>>
        tpu.wait_indirect_dma semaphore(%arg34 : memref<!tpu.dma_semaphore, #tpu.memory_space<semaphore_mem>>) src(%arg16 : memref<128x32xf32, #tpu.memory_space<vmem>>) dst(%dma_wait3A_365 : memref<10240x32xf32, #tpu.memory_space<vmem_shared>>)
      } else {
      }
      %add3A_247 = arith.constant 4 : i32
      %add3A_248 = arith.addi %mul3A_135, %add3A_247 : i32
      %add3A_249 = arith.constant 3 : i32
      %add3A_250 = arith.addi %add3A_248, %add3A_249 : i32
      %dma_start3A_251 = arith.constant 0 : i32
      %dma_start3A_252 = tpu.memref_slice %arg7[%add3A_250, %dma_start3A_251] : memref<80x128xi32, #tpu.memory_space<vmem>> -> memref<1x128xi32, #tpu.memory_space<vmem>>
      %dma_start3A_253 = tpu.memref_squeeze %dma_start3A_252 : memref<1x128xi32, #tpu.memory_space<vmem>> -> memref<128xi32, #tpu.memory_space<vmem>>
      %dma_start3A_254 = arith.constant 0 : i32
      %dma_start3A_255 = arith.constant 0 : i32
      %dma_start3A_256 = tpu.memref_slice %arg18[%dma_start3A_254, %dma_start3A_255] : memref<10240x32xf32, #tpu.memory_space<vmem_shared>> -> memref<10240x32xf32, #tpu.memory_space<vmem_shared>>
      tpu.enqueue_indirect_dma source(%dma_start3A_256 : memref<10240x32xf32, #tpu.memory_space<vmem_shared>>) target(%arg16 : memref<128x32xf32, #tpu.memory_space<vmem>>) offsets(%dma_start3A_253 : memref<128xi32, #tpu.memory_space<vmem>>) semaphore(%arg26 : memref<!tpu.dma_semaphore, #tpu.memory_space<semaphore_mem>>)
      %add3A_257 = arith.constant 4 : i32
      %add3A_258 = arith.addi %mul3A_135, %add3A_257 : i32
      %add3A_259 = arith.constant 0 : i32
      %add3A_260 = arith.addi %add3A_258, %add3A_259 : i32
      %dma_wait3A_261 = arith.constant 0 : i32
      %dma_wait3A_262 = tpu.memref_slice %arg7[%add3A_260, %dma_wait3A_261] : memref<80x128xi32, #tpu.memory_space<vmem>> -> memref<1x128xi32, #tpu.memory_space<vmem>>
      %dma_wait3A_263 = tpu.memref_squeeze %dma_wait3A_262 : memref<1x128xi32, #tpu.memory_space<vmem>> -> memref<128xi32, #tpu.memory_space<vmem>>
      %dma_wait3A_264 = arith.constant 0 : i32
      %dma_wait3A_265 = arith.constant 0 : i32
      %dma_wait3A_266 = tpu.memref_slice %arg18[%dma_wait3A_264, %dma_wait3A_265] : memref<10240x32xf32, #tpu.memory_space<vmem_shared>> -> memref<10240x32xf32, #tpu.memory_space<vmem_shared>>
      tpu.wait_indirect_dma semaphore(%arg23 : memref<!tpu.dma_semaphore, #tpu.memory_space<semaphore_mem>>) src(%dma_wait3A_266 : memref<10240x32xf32, #tpu.memory_space<vmem_shared>>) dst(%arg13 : memref<128x32xf32, #tpu.memory_space<vmem>>)
      %add3A_267 = arith.constant 4 : i32
      %add3A_268 = arith.addi %mul3A_135, %add3A_267 : i32
      %add3A_269 = arith.constant 0 : i32
      %add3A_270 = arith.addi %add3A_268, %add3A_269 : i32
      %dma_start3A_271 = arith.constant 0 : i32
      %dma_start3A_272 = tpu.memref_slice %arg8[%add3A_270, %dma_start3A_271] : memref<80x128xi32, #tpu.memory_space<vmem>> -> memref<1x128xi32, #tpu.memory_space<vmem>>
      %dma_start3A_273 = tpu.memref_squeeze %dma_start3A_272 : memref<1x128xi32, #tpu.memory_space<vmem>> -> memref<128xi32, #tpu.memory_space<vmem>>
      %dma_start3A_274 = arith.constant 0 : i32
      %dma_start3A_275 = arith.constant 0 : i32
      %dma_start3A_276 = tpu.memref_slice %arg17[%dma_start3A_274, %dma_start3A_275] : memref<10240x32xf32, #tpu.memory_space<vmem_shared>> -> memref<10240x32xf32, #tpu.memory_space<vmem_shared>>
      tpu.enqueue_indirect_dma source(%arg13 : memref<128x32xf32, #tpu.memory_space<vmem>>) target(%dma_start3A_276 : memref<10240x32xf32, #tpu.memory_space<vmem_shared>>) offsets(%dma_start3A_273 : memref<128xi32, #tpu.memory_space<vmem>>) semaphore(%arg31 : memref<!tpu.dma_semaphore, #tpu.memory_space<semaphore_mem>>) {add = true}
      %add3A_277 = arith.constant 4 : i32
      %add3A_278 = arith.addi %mul3A_135, %add3A_277 : i32
      %add3A_279 = arith.constant 1 : i32
      %add3A_280 = arith.addi %add3A_278, %add3A_279 : i32
      %dma_wait3A_281 = arith.constant 0 : i32
      %dma_wait3A_282 = tpu.memref_slice %arg7[%add3A_280, %dma_wait3A_281] : memref<80x128xi32, #tpu.memory_space<vmem>> -> memref<1x128xi32, #tpu.memory_space<vmem>>
      %dma_wait3A_283 = tpu.memref_squeeze %dma_wait3A_282 : memref<1x128xi32, #tpu.memory_space<vmem>> -> memref<128xi32, #tpu.memory_space<vmem>>
      %dma_wait3A_284 = arith.constant 0 : i32
      %dma_wait3A_285 = arith.constant 0 : i32
      %dma_wait3A_286 = tpu.memref_slice %arg18[%dma_wait3A_284, %dma_wait3A_285] : memref<10240x32xf32, #tpu.memory_space<vmem_shared>> -> memref<10240x32xf32, #tpu.memory_space<vmem_shared>>
      tpu.wait_indirect_dma semaphore(%arg24 : memref<!tpu.dma_semaphore, #tpu.memory_space<semaphore_mem>>) src(%dma_wait3A_286 : memref<10240x32xf32, #tpu.memory_space<vmem_shared>>) dst(%arg14 : memref<128x32xf32, #tpu.memory_space<vmem>>)
      %add3A_287 = arith.constant 4 : i32
      %add3A_288 = arith.addi %mul3A_135, %add3A_287 : i32
      %add3A_289 = arith.constant 1 : i32
      %add3A_290 = arith.addi %add3A_288, %add3A_289 : i32
      %dma_start3A_291 = arith.constant 0 : i32
      %dma_start3A_292 = tpu.memref_slice %arg8[%add3A_290, %dma_start3A_291] : memref<80x128xi32, #tpu.memory_space<vmem>> -> memref<1x128xi32, #tpu.memory_space<vmem>>
      %dma_start3A_293 = tpu.memref_squeeze %dma_start3A_292 : memref<1x128xi32, #tpu.memory_space<vmem>> -> memref<128xi32, #tpu.memory_space<vmem>>
      %dma_start3A_294 = arith.constant 0 : i32
      %dma_start3A_295 = arith.constant 0 : i32
      %dma_start3A_296 = tpu.memref_slice %arg17[%dma_start3A_294, %dma_start3A_295] : memref<10240x32xf32, #tpu.memory_space<vmem_shared>> -> memref<10240x32xf32, #tpu.memory_space<vmem_shared>>
      tpu.enqueue_indirect_dma source(%arg14 : memref<128x32xf32, #tpu.memory_space<vmem>>) target(%dma_start3A_296 : memref<10240x32xf32, #tpu.memory_space<vmem_shared>>) offsets(%dma_start3A_293 : memref<128xi32, #tpu.memory_space<vmem>>) semaphore(%arg32 : memref<!tpu.dma_semaphore, #tpu.memory_space<semaphore_mem>>) {add = true}
      %add3A_297 = arith.constant 4 : i32
      %add3A_298 = arith.addi %mul3A_135, %add3A_297 : i32
      %add3A_299 = arith.constant 2 : i32
      %add3A_300 = arith.addi %add3A_298, %add3A_299 : i32
      %dma_wait3A_301 = arith.constant 0 : i32
      %dma_wait3A_302 = tpu.memref_slice %arg7[%add3A_300, %dma_wait3A_301] : memref<80x128xi32, #tpu.memory_space<vmem>> -> memref<1x128xi32, #tpu.memory_space<vmem>>
      %dma_wait3A_303 = tpu.memref_squeeze %dma_wait3A_302 : memref<1x128xi32, #tpu.memory_space<vmem>> -> memref<128xi32, #tpu.memory_space<vmem>>
      %dma_wait3A_304 = arith.constant 0 : i32
      %dma_wait3A_305 = arith.constant 0 : i32
      %dma_wait3A_306 = tpu.memref_slice %arg18[%dma_wait3A_304, %dma_wait3A_305] : memref<10240x32xf32, #tpu.memory_space<vmem_shared>> -> memref<10240x32xf32, #tpu.memory_space<vmem_shared>>
      tpu.wait_indirect_dma semaphore(%arg25 : memref<!tpu.dma_semaphore, #tpu.memory_space<semaphore_mem>>) src(%dma_wait3A_306 : memref<10240x32xf32, #tpu.memory_space<vmem_shared>>) dst(%arg15 : memref<128x32xf32, #tpu.memory_space<vmem>>)
      %add3A_307 = arith.constant 4 : i32
      %add3A_308 = arith.addi %mul3A_135, %add3A_307 : i32
      %add3A_309 = arith.constant 2 : i32
      %add3A_310 = arith.addi %add3A_308, %add3A_309 : i32
      %dma_start3A_311 = arith.constant 0 : i32
      %dma_start3A_312 = tpu.memref_slice %arg8[%add3A_310, %dma_start3A_311] : memref<80x128xi32, #tpu.memory_space<vmem>> -> memref<1x128xi32, #tpu.memory_space<vmem>>
      %dma_start3A_313 = tpu.memref_squeeze %dma_start3A_312 : memref<1x128xi32, #tpu.memory_space<vmem>> -> memref<128xi32, #tpu.memory_space<vmem>>
      %dma_start3A_314 = arith.constant 0 : i32
      %dma_start3A_315 = arith.constant 0 : i32
      %dma_start3A_316 = tpu.memref_slice %arg17[%dma_start3A_314, %dma_start3A_315] : memref<10240x32xf32, #tpu.memory_space<vmem_shared>> -> memref<10240x32xf32, #tpu.memory_space<vmem_shared>>
      tpu.enqueue_indirect_dma source(%arg15 : memref<128x32xf32, #tpu.memory_space<vmem>>) target(%dma_start3A_316 : memref<10240x32xf32, #tpu.memory_space<vmem_shared>>) offsets(%dma_start3A_313 : memref<128xi32, #tpu.memory_space<vmem>>) semaphore(%arg33 : memref<!tpu.dma_semaphore, #tpu.memory_space<semaphore_mem>>) {add = true}
      %add3A_317 = arith.constant 4 : i32
      %add3A_318 = arith.addi %mul3A_135, %add3A_317 : i32
      %add3A_319 = arith.constant 3 : i32
      %add3A_320 = arith.addi %add3A_318, %add3A_319 : i32
      %dma_wait3A_321 = arith.constant 0 : i32
      %dma_wait3A_322 = tpu.memref_slice %arg7[%add3A_320, %dma_wait3A_321] : memref<80x128xi32, #tpu.memory_space<vmem>> -> memref<1x128xi32, #tpu.memory_space<vmem>>
      %dma_wait3A_323 = tpu.memref_squeeze %dma_wait3A_322 : memref<1x128xi32, #tpu.memory_space<vmem>> -> memref<128xi32, #tpu.memory_space<vmem>>
      %dma_wait3A_324 = arith.constant 0 : i32
      %dma_wait3A_325 = arith.constant 0 : i32
      %dma_wait3A_326 = tpu.memref_slice %arg18[%dma_wait3A_324, %dma_wait3A_325] : memref<10240x32xf32, #tpu.memory_space<vmem_shared>> -> memref<10240x32xf32, #tpu.memory_space<vmem_shared>>
      tpu.wait_indirect_dma semaphore(%arg26 : memref<!tpu.dma_semaphore, #tpu.memory_space<semaphore_mem>>) src(%dma_wait3A_326 : memref<10240x32xf32, #tpu.memory_space<vmem_shared>>) dst(%arg16 : memref<128x32xf32, #tpu.memory_space<vmem>>)
      %add3A_327 = arith.constant 4 : i32
      %add3A_328 = arith.addi %mul3A_135, %add3A_327 : i32
      %add3A_329 = arith.constant 3 : i32
      %add3A_330 = arith.addi %add3A_328, %add3A_329 : i32
      %dma_start3A_331 = arith.constant 0 : i32
      %dma_start3A_332 = tpu.memref_slice %arg8[%add3A_330, %dma_start3A_331] : memref<80x128xi32, #tpu.memory_space<vmem>> -> memref<1x128xi32, #tpu.memory_space<vmem>>
      %dma_start3A_333 = tpu.memref_squeeze %dma_start3A_332 : memref<1x128xi32, #tpu.memory_space<vmem>> -> memref<128xi32, #tpu.memory_space<vmem>>
      %dma_start3A_334 = arith.constant 0 : i32
      %dma_start3A_335 = arith.constant 0 : i32
      %dma_start3A_336 = tpu.memref_slice %arg17[%dma_start3A_334, %dma_start3A_335] : memref<10240x32xf32, #tpu.memory_space<vmem_shared>> -> memref<10240x32xf32, #tpu.memory_space<vmem_shared>>
      tpu.enqueue_indirect_dma source(%arg16 : memref<128x32xf32, #tpu.memory_space<vmem>>) target(%dma_start3A_336 : memref<10240x32xf32, #tpu.memory_space<vmem_shared>>) offsets(%dma_start3A_333 : memref<128xi32, #tpu.memory_space<vmem>>) semaphore(%arg34 : memref<!tpu.dma_semaphore, #tpu.memory_space<semaphore_mem>>) {add = true}
      %lt3A = arith.constant 9 : i32
      %lt3A_337 = arith.cmpi slt, %scan3A_132, %lt3A : i32
      %convert_element_type3A_338 = arith.extui %lt3A_337 : i1 to i32
      %cond3A_339 = arith.constant 0 : i32
      %cond3A_340 = arith.cmpi ne, %convert_element_type3A_338, %cond3A_339 : i32
      scf.if %cond3A_340 {
        %add3A_357 = arith.constant 0 : i32
        %add3A_358 = arith.addi %mul3A_135, %add3A_357 : i32
        %dma_wait3A_359 = arith.constant 0 : i32
        %dma_wait3A_360 = tpu.memref_slice %arg8[%add3A_358, %dma_wait3A_359] : memref<80x128xi32, #tpu.memory_space<vmem>> -> memref<1x128xi32, #tpu.memory_space<vmem>>
        %dma_wait3A_361 = tpu.memref_squeeze %dma_wait3A_360 : memref<1x128xi32, #tpu.memory_space<vmem>> -> memref<128xi32, #tpu.memory_space<vmem>>
        %dma_wait3A_362 = arith.constant 0 : i32
        %dma_wait3A_363 = arith.constant 0 : i32
        %dma_wait3A_364 = tpu.memref_slice %arg17[%dma_wait3A_362, %dma_wait3A_363] : memref<10240x32xf32, #tpu.memory_space<vmem_shared>> -> memref<10240x32xf32, #tpu.memory_space<vmem_shared>>
        tpu.wait_indirect_dma semaphore(%arg27 : memref<!tpu.dma_semaphore, #tpu.memory_space<semaphore_mem>>) src(%arg9 : memref<128x32xf32, #tpu.memory_space<vmem>>) dst(%dma_wait3A_364 : memref<10240x32xf32, #tpu.memory_space<vmem_shared>>)
        %add3A_365 = arith.constant 8 : i32
        %add3A_366 = arith.addi %mul3A_135, %add3A_365 : i32
        %add3A_367 = arith.constant 0 : i32
        %add3A_368 = arith.addi %add3A_366, %add3A_367 : i32
        %dma_start3A_369 = arith.constant 0 : i32
        %dma_start3A_370 = tpu.memref_slice %arg7[%add3A_368, %dma_start3A_369] : memref<80x128xi32, #tpu.memory_space<vmem>> -> memref<1x128xi32, #tpu.memory_space<vmem>>
        %dma_start3A_371 = tpu.memref_squeeze %dma_start3A_370 : memref<1x128xi32, #tpu.memory_space<vmem>> -> memref<128xi32, #tpu.memory_space<vmem>>
        %dma_start3A_372 = arith.constant 0 : i32
        %dma_start3A_373 = arith.constant 0 : i32
        %dma_start3A_374 = tpu.memref_slice %arg18[%dma_start3A_372, %dma_start3A_373] : memref<10240x32xf32, #tpu.memory_space<vmem_shared>> -> memref<10240x32xf32, #tpu.memory_space<vmem_shared>>
        tpu.enqueue_indirect_dma source(%dma_start3A_374 : memref<10240x32xf32, #tpu.memory_space<vmem_shared>>) target(%arg9 : memref<128x32xf32, #tpu.memory_space<vmem>>) offsets(%dma_start3A_371 : memref<128xi32, #tpu.memory_space<vmem>>) semaphore(%arg19 : memref<!tpu.dma_semaphore, #tpu.memory_space<semaphore_mem>>)
      } else {
      }
      %lt3A_341 = arith.constant 9 : i32
      %lt3A_342 = arith.cmpi slt, %scan3A_132, %lt3A_341 : i32
      %convert_element_type3A_343 = arith.extui %lt3A_342 : i1 to i32
      %cond3A_344 = arith.constant 0 : i32
      %cond3A_345 = arith.cmpi ne, %convert_element_type3A_343, %cond3A_344 : i32
      scf.if %cond3A_345 {
        %add3A_357 = arith.constant 1 : i32
        %add3A_358 = arith.addi %mul3A_135, %add3A_357 : i32
        %dma_wait3A_359 = arith.constant 0 : i32
        %dma_wait3A_360 = tpu.memref_slice %arg8[%add3A_358, %dma_wait3A_359] : memref<80x128xi32, #tpu.memory_space<vmem>> -> memref<1x128xi32, #tpu.memory_space<vmem>>
        %dma_wait3A_361 = tpu.memref_squeeze %dma_wait3A_360 : memref<1x128xi32, #tpu.memory_space<vmem>> -> memref<128xi32, #tpu.memory_space<vmem>>
        %dma_wait3A_362 = arith.constant 0 : i32
        %dma_wait3A_363 = arith.constant 0 : i32
        %dma_wait3A_364 = tpu.memref_slice %arg17[%dma_wait3A_362, %dma_wait3A_363] : memref<10240x32xf32, #tpu.memory_space<vmem_shared>> -> memref<10240x32xf32, #tpu.memory_space<vmem_shared>>
        tpu.wait_indirect_dma semaphore(%arg28 : memref<!tpu.dma_semaphore, #tpu.memory_space<semaphore_mem>>) src(%arg10 : memref<128x32xf32, #tpu.memory_space<vmem>>) dst(%dma_wait3A_364 : memref<10240x32xf32, #tpu.memory_space<vmem_shared>>)
        %add3A_365 = arith.constant 8 : i32
        %add3A_366 = arith.addi %mul3A_135, %add3A_365 : i32
        %add3A_367 = arith.constant 1 : i32
        %add3A_368 = arith.addi %add3A_366, %add3A_367 : i32
        %dma_start3A_369 = arith.constant 0 : i32
        %dma_start3A_370 = tpu.memref_slice %arg7[%add3A_368, %dma_start3A_369] : memref<80x128xi32, #tpu.memory_space<vmem>> -> memref<1x128xi32, #tpu.memory_space<vmem>>
        %dma_start3A_371 = tpu.memref_squeeze %dma_start3A_370 : memref<1x128xi32, #tpu.memory_space<vmem>> -> memref<128xi32, #tpu.memory_space<vmem>>
        %dma_start3A_372 = arith.constant 0 : i32
        %dma_start3A_373 = arith.constant 0 : i32
        %dma_start3A_374 = tpu.memref_slice %arg18[%dma_start3A_372, %dma_start3A_373] : memref<10240x32xf32, #tpu.memory_space<vmem_shared>> -> memref<10240x32xf32, #tpu.memory_space<vmem_shared>>
        tpu.enqueue_indirect_dma source(%dma_start3A_374 : memref<10240x32xf32, #tpu.memory_space<vmem_shared>>) target(%arg10 : memref<128x32xf32, #tpu.memory_space<vmem>>) offsets(%dma_start3A_371 : memref<128xi32, #tpu.memory_space<vmem>>) semaphore(%arg20 : memref<!tpu.dma_semaphore, #tpu.memory_space<semaphore_mem>>)
      } else {
      }
      %lt3A_346 = arith.constant 9 : i32
      %lt3A_347 = arith.cmpi slt, %scan3A_132, %lt3A_346 : i32
      %convert_element_type3A_348 = arith.extui %lt3A_347 : i1 to i32
      %cond3A_349 = arith.constant 0 : i32
      %cond3A_350 = arith.cmpi ne, %convert_element_type3A_348, %cond3A_349 : i32
      scf.if %cond3A_350 {
        %add3A_357 = arith.constant 2 : i32
        %add3A_358 = arith.addi %mul3A_135, %add3A_357 : i32
        %dma_wait3A_359 = arith.constant 0 : i32
        %dma_wait3A_360 = tpu.memref_slice %arg8[%add3A_358, %dma_wait3A_359] : memref<80x128xi32, #tpu.memory_space<vmem>> -> memref<1x128xi32, #tpu.memory_space<vmem>>
        %dma_wait3A_361 = tpu.memref_squeeze %dma_wait3A_360 : memref<1x128xi32, #tpu.memory_space<vmem>> -> memref<128xi32, #tpu.memory_space<vmem>>
        %dma_wait3A_362 = arith.constant 0 : i32
        %dma_wait3A_363 = arith.constant 0 : i32
        %dma_wait3A_364 = tpu.memref_slice %arg17[%dma_wait3A_362, %dma_wait3A_363] : memref<10240x32xf32, #tpu.memory_space<vmem_shared>> -> memref<10240x32xf32, #tpu.memory_space<vmem_shared>>
        tpu.wait_indirect_dma semaphore(%arg29 : memref<!tpu.dma_semaphore, #tpu.memory_space<semaphore_mem>>) src(%arg11 : memref<128x32xf32, #tpu.memory_space<vmem>>) dst(%dma_wait3A_364 : memref<10240x32xf32, #tpu.memory_space<vmem_shared>>)
        %add3A_365 = arith.constant 8 : i32
        %add3A_366 = arith.addi %mul3A_135, %add3A_365 : i32
        %add3A_367 = arith.constant 2 : i32
        %add3A_368 = arith.addi %add3A_366, %add3A_367 : i32
        %dma_start3A_369 = arith.constant 0 : i32
        %dma_start3A_370 = tpu.memref_slice %arg7[%add3A_368, %dma_start3A_369] : memref<80x128xi32, #tpu.memory_space<vmem>> -> memref<1x128xi32, #tpu.memory_space<vmem>>
        %dma_start3A_371 = tpu.memref_squeeze %dma_start3A_370 : memref<1x128xi32, #tpu.memory_space<vmem>> -> memref<128xi32, #tpu.memory_space<vmem>>
        %dma_start3A_372 = arith.constant 0 : i32
        %dma_start3A_373 = arith.constant 0 : i32
        %dma_start3A_374 = tpu.memref_slice %arg18[%dma_start3A_372, %dma_start3A_373] : memref<10240x32xf32, #tpu.memory_space<vmem_shared>> -> memref<10240x32xf32, #tpu.memory_space<vmem_shared>>
        tpu.enqueue_indirect_dma source(%dma_start3A_374 : memref<10240x32xf32, #tpu.memory_space<vmem_shared>>) target(%arg11 : memref<128x32xf32, #tpu.memory_space<vmem>>) offsets(%dma_start3A_371 : memref<128xi32, #tpu.memory_space<vmem>>) semaphore(%arg21 : memref<!tpu.dma_semaphore, #tpu.memory_space<semaphore_mem>>)
      } else {
      }
      %lt3A_351 = arith.constant 9 : i32
      %lt3A_352 = arith.cmpi slt, %scan3A_132, %lt3A_351 : i32
      %convert_element_type3A_353 = arith.extui %lt3A_352 : i1 to i32
      %cond3A_354 = arith.constant 0 : i32
      %cond3A_355 = arith.cmpi ne, %convert_element_type3A_353, %cond3A_354 : i32
      scf.if %cond3A_355 {
        %add3A_357 = arith.constant 3 : i32
        %add3A_358 = arith.addi %mul3A_135, %add3A_357 : i32
        %dma_wait3A_359 = arith.constant 0 : i32
        %dma_wait3A_360 = tpu.memref_slice %arg8[%add3A_358, %dma_wait3A_359] : memref<80x128xi32, #tpu.memory_space<vmem>> -> memref<1x128xi32, #tpu.memory_space<vmem>>
        %dma_wait3A_361 = tpu.memref_squeeze %dma_wait3A_360 : memref<1x128xi32, #tpu.memory_space<vmem>> -> memref<128xi32, #tpu.memory_space<vmem>>
        %dma_wait3A_362 = arith.constant 0 : i32
        %dma_wait3A_363 = arith.constant 0 : i32
        %dma_wait3A_364 = tpu.memref_slice %arg17[%dma_wait3A_362, %dma_wait3A_363] : memref<10240x32xf32, #tpu.memory_space<vmem_shared>> -> memref<10240x32xf32, #tpu.memory_space<vmem_shared>>
        tpu.wait_indirect_dma semaphore(%arg30 : memref<!tpu.dma_semaphore, #tpu.memory_space<semaphore_mem>>) src(%arg12 : memref<128x32xf32, #tpu.memory_space<vmem>>) dst(%dma_wait3A_364 : memref<10240x32xf32, #tpu.memory_space<vmem_shared>>)
        %add3A_365 = arith.constant 8 : i32
        %add3A_366 = arith.addi %mul3A_135, %add3A_365 : i32
        %add3A_367 = arith.constant 3 : i32
        %add3A_368 = arith.addi %add3A_366, %add3A_367 : i32
        %dma_start3A_369 = arith.constant 0 : i32
        %dma_start3A_370 = tpu.memref_slice %arg7[%add3A_368, %dma_start3A_369] : memref<80x128xi32, #tpu.memory_space<vmem>> -> memref<1x128xi32, #tpu.memory_space<vmem>>
        %dma_start3A_371 = tpu.memref_squeeze %dma_start3A_370 : memref<1x128xi32, #tpu.memory_space<vmem>> -> memref<128xi32, #tpu.memory_space<vmem>>
        %dma_start3A_372 = arith.constant 0 : i32
        %dma_start3A_373 = arith.constant 0 : i32
        %dma_start3A_374 = tpu.memref_slice %arg18[%dma_start3A_372, %dma_start3A_373] : memref<10240x32xf32, #tpu.memory_space<vmem_shared>> -> memref<10240x32xf32, #tpu.memory_space<vmem_shared>>
        tpu.enqueue_indirect_dma source(%dma_start3A_374 : memref<10240x32xf32, #tpu.memory_space<vmem_shared>>) target(%arg12 : memref<128x32xf32, #tpu.memory_space<vmem>>) offsets(%dma_start3A_371 : memref<128xi32, #tpu.memory_space<vmem>>) semaphore(%arg22 : memref<!tpu.dma_semaphore, #tpu.memory_space<semaphore_mem>>)
      } else {
      }
      %scan3A_356 = arith.constant 0 : i32
      scf.yield %scan3A_356 : i32
    }
    %scan3A_70 = arith.constant 10 : i32
    %dma_wait3A_71 = arith.constant 72 : i32
    %dma_wait3A_72 = arith.constant 0 : i32
    %dma_wait3A_73 = tpu.memref_slice %arg8[%dma_wait3A_71, %dma_wait3A_72] : memref<80x128xi32, #tpu.memory_space<vmem>> -> memref<1x128xi32, #tpu.memory_space<vmem>>
    %dma_wait3A_74 = tpu.memref_squeeze %dma_wait3A_73 : memref<1x128xi32, #tpu.memory_space<vmem>> -> memref<128xi32, #tpu.memory_space<vmem>>
    %dma_wait3A_75 = arith.constant 0 : i32
    %dma_wait3A_76 = arith.constant 0 : i32
    %dma_wait3A_77 = tpu.memref_slice %arg17[%dma_wait3A_75, %dma_wait3A_76] : memref<10240x32xf32, #tpu.memory_space<vmem_shared>> -> memref<10240x32xf32, #tpu.memory_space<vmem_shared>>
    tpu.wait_indirect_dma semaphore(%arg27 : memref<!tpu.dma_semaphore, #tpu.memory_space<semaphore_mem>>) src(%arg9 : memref<128x32xf32, #tpu.memory_space<vmem>>) dst(%dma_wait3A_77 : memref<10240x32xf32, #tpu.memory_space<vmem_shared>>)
    %dma_wait3A_78 = arith.constant 76 : i32
    %dma_wait3A_79 = arith.constant 0 : i32
    %dma_wait3A_80 = tpu.memref_slice %arg8[%dma_wait3A_78, %dma_wait3A_79] : memref<80x128xi32, #tpu.memory_space<vmem>> -> memref<1x128xi32, #tpu.memory_space<vmem>>
    %dma_wait3A_81 = tpu.memref_squeeze %dma_wait3A_80 : memref<1x128xi32, #tpu.memory_space<vmem>> -> memref<128xi32, #tpu.memory_space<vmem>>
    %dma_wait3A_82 = arith.constant 0 : i32
    %dma_wait3A_83 = arith.constant 0 : i32
    %dma_wait3A_84 = tpu.memref_slice %arg17[%dma_wait3A_82, %dma_wait3A_83] : memref<10240x32xf32, #tpu.memory_space<vmem_shared>> -> memref<10240x32xf32, #tpu.memory_space<vmem_shared>>
    tpu.wait_indirect_dma semaphore(%arg31 : memref<!tpu.dma_semaphore, #tpu.memory_space<semaphore_mem>>) src(%arg13 : memref<128x32xf32, #tpu.memory_space<vmem>>) dst(%dma_wait3A_84 : memref<10240x32xf32, #tpu.memory_space<vmem_shared>>)
    %dma_wait3A_85 = arith.constant 73 : i32
    %dma_wait3A_86 = arith.constant 0 : i32
    %dma_wait3A_87 = tpu.memref_slice %arg8[%dma_wait3A_85, %dma_wait3A_86] : memref<80x128xi32, #tpu.memory_space<vmem>> -> memref<1x128xi32, #tpu.memory_space<vmem>>
    %dma_wait3A_88 = tpu.memref_squeeze %dma_wait3A_87 : memref<1x128xi32, #tpu.memory_space<vmem>> -> memref<128xi32, #tpu.memory_space<vmem>>
    %dma_wait3A_89 = arith.constant 0 : i32
    %dma_wait3A_90 = arith.constant 0 : i32
    %dma_wait3A_91 = tpu.memref_slice %arg17[%dma_wait3A_89, %dma_wait3A_90] : memref<10240x32xf32, #tpu.memory_space<vmem_shared>> -> memref<10240x32xf32, #tpu.memory_space<vmem_shared>>
    tpu.wait_indirect_dma semaphore(%arg28 : memref<!tpu.dma_semaphore, #tpu.memory_space<semaphore_mem>>) src(%arg10 : memref<128x32xf32, #tpu.memory_space<vmem>>) dst(%dma_wait3A_91 : memref<10240x32xf32, #tpu.memory_space<vmem_shared>>)
    %dma_wait3A_92 = arith.constant 77 : i32
    %dma_wait3A_93 = arith.constant 0 : i32
    %dma_wait3A_94 = tpu.memref_slice %arg8[%dma_wait3A_92, %dma_wait3A_93] : memref<80x128xi32, #tpu.memory_space<vmem>> -> memref<1x128xi32, #tpu.memory_space<vmem>>
    %dma_wait3A_95 = tpu.memref_squeeze %dma_wait3A_94 : memref<1x128xi32, #tpu.memory_space<vmem>> -> memref<128xi32, #tpu.memory_space<vmem>>
    %dma_wait3A_96 = arith.constant 0 : i32
    %dma_wait3A_97 = arith.constant 0 : i32
    %dma_wait3A_98 = tpu.memref_slice %arg17[%dma_wait3A_96, %dma_wait3A_97] : memref<10240x32xf32, #tpu.memory_space<vmem_shared>> -> memref<10240x32xf32, #tpu.memory_space<vmem_shared>>
    tpu.wait_indirect_dma semaphore(%arg32 : memref<!tpu.dma_semaphore, #tpu.memory_space<semaphore_mem>>) src(%arg14 : memref<128x32xf32, #tpu.memory_space<vmem>>) dst(%dma_wait3A_98 : memref<10240x32xf32, #tpu.memory_space<vmem_shared>>)
    %dma_wait3A_99 = arith.constant 74 : i32
    %dma_wait3A_100 = arith.constant 0 : i32
    %dma_wait3A_101 = tpu.memref_slice %arg8[%dma_wait3A_99, %dma_wait3A_100] : memref<80x128xi32, #tpu.memory_space<vmem>> -> memref<1x128xi32, #tpu.memory_space<vmem>>
    %dma_wait3A_102 = tpu.memref_squeeze %dma_wait3A_101 : memref<1x128xi32, #tpu.memory_space<vmem>> -> memref<128xi32, #tpu.memory_space<vmem>>
    %dma_wait3A_103 = arith.constant 0 : i32
    %dma_wait3A_104 = arith.constant 0 : i32
    %dma_wait3A_105 = tpu.memref_slice %arg17[%dma_wait3A_103, %dma_wait3A_104] : memref<10240x32xf32, #tpu.memory_space<vmem_shared>> -> memref<10240x32xf32, #tpu.memory_space<vmem_shared>>
    tpu.wait_indirect_dma semaphore(%arg29 : memref<!tpu.dma_semaphore, #tpu.memory_space<semaphore_mem>>) src(%arg11 : memref<128x32xf32, #tpu.memory_space<vmem>>) dst(%dma_wait3A_105 : memref<10240x32xf32, #tpu.memory_space<vmem_shared>>)
    %dma_wait3A_106 = arith.constant 78 : i32
    %dma_wait3A_107 = arith.constant 0 : i32
    %dma_wait3A_108 = tpu.memref_slice %arg8[%dma_wait3A_106, %dma_wait3A_107] : memref<80x128xi32, #tpu.memory_space<vmem>> -> memref<1x128xi32, #tpu.memory_space<vmem>>
    %dma_wait3A_109 = tpu.memref_squeeze %dma_wait3A_108 : memref<1x128xi32, #tpu.memory_space<vmem>> -> memref<128xi32, #tpu.memory_space<vmem>>
    %dma_wait3A_110 = arith.constant 0 : i32
    %dma_wait3A_111 = arith.constant 0 : i32
    %dma_wait3A_112 = tpu.memref_slice %arg17[%dma_wait3A_110, %dma_wait3A_111] : memref<10240x32xf32, #tpu.memory_space<vmem_shared>> -> memref<10240x32xf32, #tpu.memory_space<vmem_shared>>
    tpu.wait_indirect_dma semaphore(%arg33 : memref<!tpu.dma_semaphore, #tpu.memory_space<semaphore_mem>>) src(%arg15 : memref<128x32xf32, #tpu.memory_space<vmem>>) dst(%dma_wait3A_112 : memref<10240x32xf32, #tpu.memory_space<vmem_shared>>)
    %dma_wait3A_113 = arith.constant 75 : i32
    %dma_wait3A_114 = arith.constant 0 : i32
    %dma_wait3A_115 = tpu.memref_slice %arg8[%dma_wait3A_113, %dma_wait3A_114] : memref<80x128xi32, #tpu.memory_space<vmem>> -> memref<1x128xi32, #tpu.memory_space<vmem>>
    %dma_wait3A_116 = tpu.memref_squeeze %dma_wait3A_115 : memref<1x128xi32, #tpu.memory_space<vmem>> -> memref<128xi32, #tpu.memory_space<vmem>>
    %dma_wait3A_117 = arith.constant 0 : i32
    %dma_wait3A_118 = arith.constant 0 : i32
    %dma_wait3A_119 = tpu.memref_slice %arg17[%dma_wait3A_117, %dma_wait3A_118] : memref<10240x32xf32, #tpu.memory_space<vmem_shared>> -> memref<10240x32xf32, #tpu.memory_space<vmem_shared>>
    tpu.wait_indirect_dma semaphore(%arg30 : memref<!tpu.dma_semaphore, #tpu.memory_space<semaphore_mem>>) src(%arg12 : memref<128x32xf32, #tpu.memory_space<vmem>>) dst(%dma_wait3A_119 : memref<10240x32xf32, #tpu.memory_space<vmem_shared>>)
    %dma_wait3A_120 = arith.constant 79 : i32
    %dma_wait3A_121 = arith.constant 0 : i32
    %dma_wait3A_122 = tpu.memref_slice %arg8[%dma_wait3A_120, %dma_wait3A_121] : memref<80x128xi32, #tpu.memory_space<vmem>> -> memref<1x128xi32, #tpu.memory_space<vmem>>
    %dma_wait3A_123 = tpu.memref_squeeze %dma_wait3A_122 : memref<1x128xi32, #tpu.memory_space<vmem>> -> memref<128xi32, #tpu.memory_space<vmem>>
    %dma_wait3A_124 = arith.constant 0 : i32
    %dma_wait3A_125 = arith.constant 0 : i32
    %dma_wait3A_126 = tpu.memref_slice %arg17[%dma_wait3A_124, %dma_wait3A_125] : memref<10240x32xf32, #tpu.memory_space<vmem_shared>> -> memref<10240x32xf32, #tpu.memory_space<vmem_shared>>
    tpu.wait_indirect_dma semaphore(%arg34 : memref<!tpu.dma_semaphore, #tpu.memory_space<semaphore_mem>>) src(%arg16 : memref<128x32xf32, #tpu.memory_space<vmem>>) dst(%dma_wait3A_126 : memref<10240x32xf32, #tpu.memory_space<vmem_shared>>)
    %barrier3A_127 = arith.constant 0 : index
    tpu.barrier barrier_id(%barrier3A_127)
    %mul3A_128 = arith.constant 640 : i32
    %mul3A_129 = arith.muli %arg1, %mul3A_128 : i32
    %mul3A_130 = arith.constant 640 : i32
    %mul3A_131 = arith.muli %arg1, %mul3A_130 : i32
    "tpu.region"() ({
      %run_scoped3A = tpu.sem_alloc : memref<!tpu.dma_semaphore, #tpu.memory_space<semaphore_mem>>
      %dma_start3A_132 = arith.constant 0 : i32
      %dma_start3A_133 = tpu.memref_slice %arg6[%arg0, %mul3A_131, %dma_start3A_132] : memref<2x10240x32xf32, #tpu.memory_space<hbm>> -> memref<1x640x32xf32, #tpu.memory_space<hbm>>
      %dma_start3A_134 = tpu.memref_squeeze %dma_start3A_133 : memref<1x640x32xf32, #tpu.memory_space<hbm>> -> memref<640x32xf32, #tpu.memory_space<hbm>>
      %dma_start3A_135 = arith.constant 0 : i32
      %dma_start3A_136 = tpu.memref_slice %arg17[%mul3A_129, %dma_start3A_135] : memref<10240x32xf32, #tpu.memory_space<vmem_shared>> -> memref<640x32xf32, #tpu.memory_space<vmem_shared>>
      tpu.enqueue_dma source(%dma_start3A_136 : memref<640x32xf32, #tpu.memory_space<vmem_shared>>) target(%dma_start3A_134 : memref<640x32xf32, #tpu.memory_space<hbm>>) target_semaphore(%run_scoped3A : memref<!tpu.dma_semaphore, #tpu.memory_space<semaphore_mem>>)
      %dma_wait3A_137 = arith.constant 0 : i32
      %dma_wait3A_138 = tpu.memref_slice %arg6[%arg0, %mul3A_131, %dma_wait3A_137] : memref<2x10240x32xf32, #tpu.memory_space<hbm>> -> memref<1x640x32xf32, #tpu.memory_space<hbm>>
      %dma_wait3A_139 = tpu.memref_squeeze %dma_wait3A_138 : memref<1x640x32xf32, #tpu.memory_space<hbm>> -> memref<640x32xf32, #tpu.memory_space<hbm>>
      %dma_wait3A_140 = arith.constant 0 : i32
      %dma_wait3A_141 = tpu.memref_slice %arg17[%mul3A_129, %dma_wait3A_140] : memref<10240x32xf32, #tpu.memory_space<vmem_shared>> -> memref<640x32xf32, #tpu.memory_space<vmem_shared>>
      tpu.wait_dma2 semaphore(%run_scoped3A : memref<!tpu.dma_semaphore, #tpu.memory_space<semaphore_mem>>) src(%dma_wait3A_141 : memref<640x32xf32, #tpu.memory_space<vmem_shared>>) dst(%dma_wait3A_139 : memref<640x32xf32, #tpu.memory_space<hbm>>)
      tpu.yield
    }) : () -> ()
    return
  }
}

#map = affine_map<(d0, d1) -> (0, 0)>
#map1 = affine_map<(d0, d1) -> (0)>
#map2 = affine_map<(d0, d1) -> (0, 0, 0)>
module attributes {stable_mosaic.version = 14 : i64} {
  func.func @_l2_kernel(%arg0: i32, %arg1: i32, %arg2: memref<2x10240xf32, #tpu.memory_space<hbm>>, %arg3: memref<327680xi32, #tpu.memory_space<hbm>>, %arg4: memref<327680xi32, #tpu.memory_space<hbm>>, %arg5: memref<32x2x10240xf32, #tpu.memory_space<hbm>>, %arg6: memref<10240xi32, #tpu.memory_space<vmem>>, %arg7: memref<10240xi32, #tpu.memory_space<vmem>>, %arg8: memref<10240xf32, #tpu.memory_space<vmem>>, %arg9: memref<10240xf32, #tpu.memory_space<vmem>>, %arg10: memref<10240xf32, #tpu.memory_space<vmem>>, %arg11: memref<10240xf32, #tpu.memory_space<vmem>>, %arg12: memref<!tpu.dma_semaphore, #tpu.memory_space<semaphore_mem>>) attributes {dimension_semantics = [#tpu.dimension_semantics<core_parallel>, #tpu.dimension_semantics<subcore_parallel>], iteration_bounds = array<i64: 2, 16>, scalar_prefetch = 0 : i64, scratch_operands = 7 : i64, tpu.core_type = #tpu.core_type<sc_vector_subcore>, window_params = [{transform_indices = #map}, {transform_indices = #map1}, {transform_indices = #map1}, {transform_indices = #map2}]} {
    %mul3A = arith.constant 2 : i32
    %mul3A_0 = arith.muli %arg1, %mul3A : i32
    %add3A = arith.addi %mul3A_0, %arg0 : i32
    %mul3A_1 = arith.constant 10240 : i32
    %mul3A_2 = arith.muli %add3A, %mul3A_1 : i32
    %dma_start3A = tpu.memref_slice %arg3[%mul3A_2] : memref<327680xi32, #tpu.memory_space<hbm>> -> memref<10240xi32, #tpu.memory_space<hbm>>
    %dma_start3A_3 = tpu.memref_slice %arg3[%mul3A_2] : memref<327680xi32, #tpu.memory_space<hbm>> -> memref<10240xi32, #tpu.memory_space<hbm>>
    tpu.enqueue_dma source(%dma_start3A_3 : memref<10240xi32, #tpu.memory_space<hbm>>) target(%arg6 : memref<10240xi32, #tpu.memory_space<vmem>>) target_semaphore(%arg12 : memref<!tpu.dma_semaphore, #tpu.memory_space<semaphore_mem>>)
    %mul3A_4 = arith.constant 10240 : i32
    %mul3A_5 = arith.muli %add3A, %mul3A_4 : i32
    %dma_start3A_6 = tpu.memref_slice %arg4[%mul3A_5] : memref<327680xi32, #tpu.memory_space<hbm>> -> memref<10240xi32, #tpu.memory_space<hbm>>
    %dma_start3A_7 = tpu.memref_slice %arg4[%mul3A_5] : memref<327680xi32, #tpu.memory_space<hbm>> -> memref<10240xi32, #tpu.memory_space<hbm>>
    tpu.enqueue_dma source(%dma_start3A_7 : memref<10240xi32, #tpu.memory_space<hbm>>) target(%arg7 : memref<10240xi32, #tpu.memory_space<vmem>>) target_semaphore(%arg12 : memref<!tpu.dma_semaphore, #tpu.memory_space<semaphore_mem>>)
    %dma_start3A_8 = arith.constant 0 : i32
    %dma_start3A_9 = arith.constant 0 : i32
    %dma_start3A_10 = tpu.memref_slice %arg2[%dma_start3A_8, %dma_start3A_9] : memref<2x10240xf32, #tpu.memory_space<hbm>> -> memref<1x10240xf32, #tpu.memory_space<hbm>>
    %dma_start3A_11 = tpu.memref_squeeze %dma_start3A_10 : memref<1x10240xf32, #tpu.memory_space<hbm>> -> memref<10240xf32, #tpu.memory_space<hbm>>
    %dma_start3A_12 = arith.constant 0 : i32
    %dma_start3A_13 = tpu.memref_slice %arg2[%dma_start3A_8, %dma_start3A_12] : memref<2x10240xf32, #tpu.memory_space<hbm>> -> memref<1x10240xf32, #tpu.memory_space<hbm>>
    %dma_start3A_14 = tpu.memref_squeeze %dma_start3A_13 : memref<1x10240xf32, #tpu.memory_space<hbm>> -> memref<10240xf32, #tpu.memory_space<hbm>>
    tpu.enqueue_dma source(%dma_start3A_14 : memref<10240xf32, #tpu.memory_space<hbm>>) target(%arg8 : memref<10240xf32, #tpu.memory_space<vmem>>) target_semaphore(%arg12 : memref<!tpu.dma_semaphore, #tpu.memory_space<semaphore_mem>>)
    %dma_start3A_15 = arith.constant 1 : i32
    %dma_start3A_16 = arith.constant 0 : i32
    %dma_start3A_17 = tpu.memref_slice %arg2[%dma_start3A_15, %dma_start3A_16] : memref<2x10240xf32, #tpu.memory_space<hbm>> -> memref<1x10240xf32, #tpu.memory_space<hbm>>
    %dma_start3A_18 = tpu.memref_squeeze %dma_start3A_17 : memref<1x10240xf32, #tpu.memory_space<hbm>> -> memref<10240xf32, #tpu.memory_space<hbm>>
    %dma_start3A_19 = arith.constant 0 : i32
    %dma_start3A_20 = tpu.memref_slice %arg2[%dma_start3A_15, %dma_start3A_19] : memref<2x10240xf32, #tpu.memory_space<hbm>> -> memref<1x10240xf32, #tpu.memory_space<hbm>>
    %dma_start3A_21 = tpu.memref_squeeze %dma_start3A_20 : memref<1x10240xf32, #tpu.memory_space<hbm>> -> memref<10240xf32, #tpu.memory_space<hbm>>
    tpu.enqueue_dma source(%dma_start3A_21 : memref<10240xf32, #tpu.memory_space<hbm>>) target(%arg9 : memref<10240xf32, #tpu.memory_space<vmem>>) target_semaphore(%arg12 : memref<!tpu.dma_semaphore, #tpu.memory_space<semaphore_mem>>)
    %dma_wait3A = tpu.memref_slice %arg3[%mul3A_2] : memref<327680xi32, #tpu.memory_space<hbm>> -> memref<10240xi32, #tpu.memory_space<hbm>>
    %dma_wait3A_22 = tpu.memref_slice %arg3[%mul3A_2] : memref<327680xi32, #tpu.memory_space<hbm>> -> memref<10240xi32, #tpu.memory_space<hbm>>
    tpu.wait_dma2 semaphore(%arg12 : memref<!tpu.dma_semaphore, #tpu.memory_space<semaphore_mem>>) src(%dma_wait3A_22 : memref<10240xi32, #tpu.memory_space<hbm>>) dst(%arg6 : memref<10240xi32, #tpu.memory_space<vmem>>)
    %dma_wait3A_23 = tpu.memref_slice %arg4[%mul3A_5] : memref<327680xi32, #tpu.memory_space<hbm>> -> memref<10240xi32, #tpu.memory_space<hbm>>
    %dma_wait3A_24 = tpu.memref_slice %arg4[%mul3A_5] : memref<327680xi32, #tpu.memory_space<hbm>> -> memref<10240xi32, #tpu.memory_space<hbm>>
    tpu.wait_dma2 semaphore(%arg12 : memref<!tpu.dma_semaphore, #tpu.memory_space<semaphore_mem>>) src(%dma_wait3A_24 : memref<10240xi32, #tpu.memory_space<hbm>>) dst(%arg7 : memref<10240xi32, #tpu.memory_space<vmem>>)
    %dma_wait3A_25 = arith.constant 0 : i32
    %dma_wait3A_26 = arith.constant 0 : i32
    %dma_wait3A_27 = tpu.memref_slice %arg2[%dma_wait3A_25, %dma_wait3A_26] : memref<2x10240xf32, #tpu.memory_space<hbm>> -> memref<1x10240xf32, #tpu.memory_space<hbm>>
    %dma_wait3A_28 = tpu.memref_squeeze %dma_wait3A_27 : memref<1x10240xf32, #tpu.memory_space<hbm>> -> memref<10240xf32, #tpu.memory_space<hbm>>
    %dma_wait3A_29 = arith.constant 0 : i32
    %dma_wait3A_30 = tpu.memref_slice %arg2[%dma_wait3A_25, %dma_wait3A_29] : memref<2x10240xf32, #tpu.memory_space<hbm>> -> memref<1x10240xf32, #tpu.memory_space<hbm>>
    %dma_wait3A_31 = tpu.memref_squeeze %dma_wait3A_30 : memref<1x10240xf32, #tpu.memory_space<hbm>> -> memref<10240xf32, #tpu.memory_space<hbm>>
    tpu.wait_dma2 semaphore(%arg12 : memref<!tpu.dma_semaphore, #tpu.memory_space<semaphore_mem>>) src(%dma_wait3A_31 : memref<10240xf32, #tpu.memory_space<hbm>>) dst(%arg8 : memref<10240xf32, #tpu.memory_space<vmem>>)
    %dma_wait3A_32 = arith.constant 1 : i32
    %dma_wait3A_33 = arith.constant 0 : i32
    %dma_wait3A_34 = tpu.memref_slice %arg2[%dma_wait3A_32, %dma_wait3A_33] : memref<2x10240xf32, #tpu.memory_space<hbm>> -> memref<1x10240xf32, #tpu.memory_space<hbm>>
    %dma_wait3A_35 = tpu.memref_squeeze %dma_wait3A_34 : memref<1x10240xf32, #tpu.memory_space<hbm>> -> memref<10240xf32, #tpu.memory_space<hbm>>
    %dma_wait3A_36 = arith.constant 0 : i32
    %dma_wait3A_37 = tpu.memref_slice %arg2[%dma_wait3A_32, %dma_wait3A_36] : memref<2x10240xf32, #tpu.memory_space<hbm>> -> memref<1x10240xf32, #tpu.memory_space<hbm>>
    %dma_wait3A_38 = tpu.memref_squeeze %dma_wait3A_37 : memref<1x10240xf32, #tpu.memory_space<hbm>> -> memref<10240xf32, #tpu.memory_space<hbm>>
    tpu.wait_dma2 semaphore(%arg12 : memref<!tpu.dma_semaphore, #tpu.memory_space<semaphore_mem>>) src(%dma_wait3A_38 : memref<10240xf32, #tpu.memory_space<hbm>>) dst(%arg9 : memref<10240xf32, #tpu.memory_space<vmem>>)
    %broadcast_in_dim3A = arith.constant 0.000000e+00 : f32
    %broadcast_in_dim3A_39 = vector.broadcast %broadcast_in_dim3A : f32 to vector<16xf32>
    %scan3A = arith.constant 0 : i32
    %scan3A_40 = arith.constant 0 : i32
    %scan3A_41 = arith.constant 160 : i32
    %scan3A_42 = arith.addi %scan3A_40, %scan3A_41 : i32
    %scan3A_43 = arith.constant 1 : i32
    %scan3A_44 = scf.for %scan3A_54 = %scan3A_40 to %scan3A_42 step %scan3A_43 iter_args(%scan3A_55 = %scan3A) -> (i32)  : i32 {
      %mul3A_56 = arith.constant 64 : i32
      %mul3A_57 = arith.muli %scan3A_54, %mul3A_56 : i32
      %add3A_58 = arith.constant 0 : i32
      %add3A_59 = arith.addi %mul3A_57, %add3A_58 : i32
      %swap3A = arith.index_cast %add3A_59 : i32 to index
      %swap3A_60 = tpu.vector_load %arg10[%swap3A] {strides = array<i32>} : memref<10240xf32, #tpu.memory_space<vmem>>, vector<16xf32>,
      tpu.vector_store %arg10[%swap3A], %broadcast_in_dim3A_39 {strides = array<i32>} : memref<10240xf32, #tpu.memory_space<vmem>>, vector<16xf32>,
      %mul3A_61 = arith.constant 64 : i32
      %mul3A_62 = arith.muli %scan3A_54, %mul3A_61 : i32
      %add3A_63 = arith.constant 0 : i32
      %add3A_64 = arith.addi %mul3A_62, %add3A_63 : i32
      %swap3A_65 = arith.index_cast %add3A_64 : i32 to index
      %swap3A_66 = tpu.vector_load %arg11[%swap3A_65] {strides = array<i32>} : memref<10240xf32, #tpu.memory_space<vmem>>, vector<16xf32>,
      tpu.vector_store %arg11[%swap3A_65], %broadcast_in_dim3A_39 {strides = array<i32>} : memref<10240xf32, #tpu.memory_space<vmem>>, vector<16xf32>,
      %mul3A_67 = arith.constant 64 : i32
      %mul3A_68 = arith.muli %scan3A_54, %mul3A_67 : i32
      %add3A_69 = arith.constant 16 : i32
      %add3A_70 = arith.addi %mul3A_68, %add3A_69 : i32
      %swap3A_71 = arith.index_cast %add3A_70 : i32 to index
      %swap3A_72 = tpu.vector_load %arg10[%swap3A_71] {strides = array<i32>} : memref<10240xf32, #tpu.memory_space<vmem>>, vector<16xf32>,
      tpu.vector_store %arg10[%swap3A_71], %broadcast_in_dim3A_39 {strides = array<i32>} : memref<10240xf32, #tpu.memory_space<vmem>>, vector<16xf32>,
      %mul3A_73 = arith.constant 64 : i32
      %mul3A_74 = arith.muli %scan3A_54, %mul3A_73 : i32
      %add3A_75 = arith.constant 16 : i32
      %add3A_76 = arith.addi %mul3A_74, %add3A_75 : i32
      %swap3A_77 = arith.index_cast %add3A_76 : i32 to index
      %swap3A_78 = tpu.vector_load %arg11[%swap3A_77] {strides = array<i32>} : memref<10240xf32, #tpu.memory_space<vmem>>, vector<16xf32>,
      tpu.vector_store %arg11[%swap3A_77], %broadcast_in_dim3A_39 {strides = array<i32>} : memref<10240xf32, #tpu.memory_space<vmem>>, vector<16xf32>,
      %mul3A_79 = arith.constant 64 : i32
      %mul3A_80 = arith.muli %scan3A_54, %mul3A_79 : i32
      %add3A_81 = arith.constant 32 : i32
      %add3A_82 = arith.addi %mul3A_80, %add3A_81 : i32
      %swap3A_83 = arith.index_cast %add3A_82 : i32 to index
      %swap3A_84 = tpu.vector_load %arg10[%swap3A_83] {strides = array<i32>} : memref<10240xf32, #tpu.memory_space<vmem>>, vector<16xf32>,
      tpu.vector_store %arg10[%swap3A_83], %broadcast_in_dim3A_39 {strides = array<i32>} : memref<10240xf32, #tpu.memory_space<vmem>>, vector<16xf32>,
      %mul3A_85 = arith.constant 64 : i32
      %mul3A_86 = arith.muli %scan3A_54, %mul3A_85 : i32
      %add3A_87 = arith.constant 32 : i32
      %add3A_88 = arith.addi %mul3A_86, %add3A_87 : i32
      %swap3A_89 = arith.index_cast %add3A_88 : i32 to index
      %swap3A_90 = tpu.vector_load %arg11[%swap3A_89] {strides = array<i32>} : memref<10240xf32, #tpu.memory_space<vmem>>, vector<16xf32>,
      tpu.vector_store %arg11[%swap3A_89], %broadcast_in_dim3A_39 {strides = array<i32>} : memref<10240xf32, #tpu.memory_space<vmem>>, vector<16xf32>,
      %mul3A_91 = arith.constant 64 : i32
      %mul3A_92 = arith.muli %scan3A_54, %mul3A_91 : i32
      %add3A_93 = arith.constant 48 : i32
      %add3A_94 = arith.addi %mul3A_92, %add3A_93 : i32
      %swap3A_95 = arith.index_cast %add3A_94 : i32 to index
      %swap3A_96 = tpu.vector_load %arg10[%swap3A_95] {strides = array<i32>} : memref<10240xf32, #tpu.memory_space<vmem>>, vector<16xf32>,
      tpu.vector_store %arg10[%swap3A_95], %broadcast_in_dim3A_39 {strides = array<i32>} : memref<10240xf32, #tpu.memory_space<vmem>>, vector<16xf32>,
      %mul3A_97 = arith.constant 64 : i32
      %mul3A_98 = arith.muli %scan3A_54, %mul3A_97 : i32
      %add3A_99 = arith.constant 48 : i32
      %add3A_100 = arith.addi %mul3A_98, %add3A_99 : i32
      %swap3A_101 = arith.index_cast %add3A_100 : i32 to index
      %swap3A_102 = tpu.vector_load %arg11[%swap3A_101] {strides = array<i32>} : memref<10240xf32, #tpu.memory_space<vmem>>, vector<16xf32>,
      tpu.vector_store %arg11[%swap3A_101], %broadcast_in_dim3A_39 {strides = array<i32>} : memref<10240xf32, #tpu.memory_space<vmem>>, vector<16xf32>,
      %scan3A_103 = arith.constant 0 : i32
      scf.yield %scan3A_103 : i32
    }
    %scan3A_45 = arith.constant 160 : i32
    %scan3A_46 = arith.constant 0 : i32
    %scan3A_47 = arith.constant 0 : i32
    %scan3A_48 = arith.constant 160 : i32
    %scan3A_49 = arith.addi %scan3A_47, %scan3A_48 : i32
    %scan3A_50 = arith.constant 1 : i32
    %scan3A_51 = scf.for %scan3A_54 = %scan3A_47 to %scan3A_49 step %scan3A_50 iter_args(%scan3A_55 = %scan3A_46) -> (i32)  : i32 {
      %mul3A_56 = arith.constant 64 : i32
      %mul3A_57 = arith.muli %scan3A_54, %mul3A_56 : i32
      %add3A_58 = arith.constant 0 : i32
      %add3A_59 = arith.addi %mul3A_57, %add3A_58 : i32
      %get3A = arith.index_cast %add3A_59 : i32 to index
      %get3A_60 = tpu.vector_load %arg6[%get3A] {strides = array<i32>} : memref<10240xi32, #tpu.memory_space<vmem>>, vector<16xi32>,
      %mul3A_61 = arith.constant 64 : i32
      %mul3A_62 = arith.muli %scan3A_54, %mul3A_61 : i32
      %add3A_63 = arith.constant 0 : i32
      %add3A_64 = arith.addi %mul3A_62, %add3A_63 : i32
      %get3A_65 = arith.index_cast %add3A_64 : i32 to index
      %get3A_66 = tpu.vector_load %arg7[%get3A_65] {strides = array<i32>} : memref<10240xi32, #tpu.memory_space<vmem>>, vector<16xi32>,
      %gather3A = tpu.vector_load_idx %arg8[%get3A_60] : memref<10240xf32, #tpu.memory_space<vmem>>[vector<16xi32>], vector<16xf32>,
      tpu.vector_store_idx %arg10[%get3A_66], %gather3A {add = true} : memref<10240xf32, #tpu.memory_space<vmem>>[vector<16xi32>], vector<16xf32>,
      %gather3A_67 = tpu.vector_load_idx %arg9[%get3A_60] : memref<10240xf32, #tpu.memory_space<vmem>>[vector<16xi32>], vector<16xf32>,
      tpu.vector_store_idx %arg11[%get3A_66], %gather3A_67 {add = true} : memref<10240xf32, #tpu.memory_space<vmem>>[vector<16xi32>], vector<16xf32>,
      %mul3A_68 = arith.constant 64 : i32
      %mul3A_69 = arith.muli %scan3A_54, %mul3A_68 : i32
      %add3A_70 = arith.constant 16 : i32
      %add3A_71 = arith.addi %mul3A_69, %add3A_70 : i32
      %get3A_72 = arith.index_cast %add3A_71 : i32 to index
      %get3A_73 = tpu.vector_load %arg6[%get3A_72] {strides = array<i32>} : memref<10240xi32, #tpu.memory_space<vmem>>, vector<16xi32>,
      %mul3A_74 = arith.constant 64 : i32
      %mul3A_75 = arith.muli %scan3A_54, %mul3A_74 : i32
      %add3A_76 = arith.constant 16 : i32
      %add3A_77 = arith.addi %mul3A_75, %add3A_76 : i32
      %get3A_78 = arith.index_cast %add3A_77 : i32 to index
      %get3A_79 = tpu.vector_load %arg7[%get3A_78] {strides = array<i32>} : memref<10240xi32, #tpu.memory_space<vmem>>, vector<16xi32>,
      %gather3A_80 = tpu.vector_load_idx %arg8[%get3A_73] : memref<10240xf32, #tpu.memory_space<vmem>>[vector<16xi32>], vector<16xf32>,
      tpu.vector_store_idx %arg10[%get3A_79], %gather3A_80 {add = true} : memref<10240xf32, #tpu.memory_space<vmem>>[vector<16xi32>], vector<16xf32>,
      %gather3A_81 = tpu.vector_load_idx %arg9[%get3A_73] : memref<10240xf32, #tpu.memory_space<vmem>>[vector<16xi32>], vector<16xf32>,
      tpu.vector_store_idx %arg11[%get3A_79], %gather3A_81 {add = true} : memref<10240xf32, #tpu.memory_space<vmem>>[vector<16xi32>], vector<16xf32>,
      %mul3A_82 = arith.constant 64 : i32
      %mul3A_83 = arith.muli %scan3A_54, %mul3A_82 : i32
      %add3A_84 = arith.constant 32 : i32
      %add3A_85 = arith.addi %mul3A_83, %add3A_84 : i32
      %get3A_86 = arith.index_cast %add3A_85 : i32 to index
      %get3A_87 = tpu.vector_load %arg6[%get3A_86] {strides = array<i32>} : memref<10240xi32, #tpu.memory_space<vmem>>, vector<16xi32>,
      %mul3A_88 = arith.constant 64 : i32
      %mul3A_89 = arith.muli %scan3A_54, %mul3A_88 : i32
      %add3A_90 = arith.constant 32 : i32
      %add3A_91 = arith.addi %mul3A_89, %add3A_90 : i32
      %get3A_92 = arith.index_cast %add3A_91 : i32 to index
      %get3A_93 = tpu.vector_load %arg7[%get3A_92] {strides = array<i32>} : memref<10240xi32, #tpu.memory_space<vmem>>, vector<16xi32>,
      %gather3A_94 = tpu.vector_load_idx %arg8[%get3A_87] : memref<10240xf32, #tpu.memory_space<vmem>>[vector<16xi32>], vector<16xf32>,
      tpu.vector_store_idx %arg10[%get3A_93], %gather3A_94 {add = true} : memref<10240xf32, #tpu.memory_space<vmem>>[vector<16xi32>], vector<16xf32>,
      %gather3A_95 = tpu.vector_load_idx %arg9[%get3A_87] : memref<10240xf32, #tpu.memory_space<vmem>>[vector<16xi32>], vector<16xf32>,
      tpu.vector_store_idx %arg11[%get3A_93], %gather3A_95 {add = true} : memref<10240xf32, #tpu.memory_space<vmem>>[vector<16xi32>], vector<16xf32>,
      %mul3A_96 = arith.constant 64 : i32
      %mul3A_97 = arith.muli %scan3A_54, %mul3A_96 : i32
      %add3A_98 = arith.constant 48 : i32
      %add3A_99 = arith.addi %mul3A_97, %add3A_98 : i32
      %get3A_100 = arith.index_cast %add3A_99 : i32 to index
      %get3A_101 = tpu.vector_load %arg6[%get3A_100] {strides = array<i32>} : memref<10240xi32, #tpu.memory_space<vmem>>, vector<16xi32>,
      %mul3A_102 = arith.constant 64 : i32
      %mul3A_103 = arith.muli %scan3A_54, %mul3A_102 : i32
      %add3A_104 = arith.constant 48 : i32
      %add3A_105 = arith.addi %mul3A_103, %add3A_104 : i32
      %get3A_106 = arith.index_cast %add3A_105 : i32 to index
      %get3A_107 = tpu.vector_load %arg7[%get3A_106] {strides = array<i32>} : memref<10240xi32, #tpu.memory_space<vmem>>, vector<16xi32>,
      %gather3A_108 = tpu.vector_load_idx %arg8[%get3A_101] : memref<10240xf32, #tpu.memory_space<vmem>>[vector<16xi32>], vector<16xf32>,
      tpu.vector_store_idx %arg10[%get3A_107], %gather3A_108 {add = true} : memref<10240xf32, #tpu.memory_space<vmem>>[vector<16xi32>], vector<16xf32>,
      %gather3A_109 = tpu.vector_load_idx %arg9[%get3A_101] : memref<10240xf32, #tpu.memory_space<vmem>>[vector<16xi32>], vector<16xf32>,
      tpu.vector_store_idx %arg11[%get3A_107], %gather3A_109 {add = true} : memref<10240xf32, #tpu.memory_space<vmem>>[vector<16xi32>], vector<16xf32>,
      %scan3A_110 = arith.constant 0 : i32
      scf.yield %scan3A_110 : i32
    }
    %scan3A_52 = arith.constant 160 : i32
    %run_scoped3A = arith.constant 0 : i32
    "tpu.region"() ({
      %run_scoped3A_54 = tpu.sem_alloc : memref<!tpu.dma_semaphore, #tpu.memory_space<semaphore_mem>>
      %dma_start3A_55 = arith.constant 0 : i32
      %dma_start3A_56 = tpu.memref_slice %arg5[%add3A, %run_scoped3A, %dma_start3A_55] : memref<32x2x10240xf32, #tpu.memory_space<hbm>> -> memref<1x1x10240xf32, #tpu.memory_space<hbm>>
      %dma_start3A_57 = tpu.memref_squeeze %dma_start3A_56 : memref<1x1x10240xf32, #tpu.memory_space<hbm>> -> memref<10240xf32, #tpu.memory_space<hbm>>
      %dma_start3A_58 = arith.constant 0 : i32
      %dma_start3A_59 = tpu.memref_slice %arg5[%add3A, %run_scoped3A, %dma_start3A_58] : memref<32x2x10240xf32, #tpu.memory_space<hbm>> -> memref<1x1x10240xf32, #tpu.memory_space<hbm>>
      %dma_start3A_60 = tpu.memref_squeeze %dma_start3A_59 : memref<1x1x10240xf32, #tpu.memory_space<hbm>> -> memref<10240xf32, #tpu.memory_space<hbm>>
      tpu.enqueue_dma source(%arg10 : memref<10240xf32, #tpu.memory_space<vmem>>) target(%dma_start3A_60 : memref<10240xf32, #tpu.memory_space<hbm>>) target_semaphore(%run_scoped3A_54 : memref<!tpu.dma_semaphore, #tpu.memory_space<semaphore_mem>>)
      %dma_wait3A_61 = arith.constant 0 : i32
      %dma_wait3A_62 = tpu.memref_slice %arg5[%add3A, %run_scoped3A, %dma_wait3A_61] : memref<32x2x10240xf32, #tpu.memory_space<hbm>> -> memref<1x1x10240xf32, #tpu.memory_space<hbm>>
      %dma_wait3A_63 = tpu.memref_squeeze %dma_wait3A_62 : memref<1x1x10240xf32, #tpu.memory_space<hbm>> -> memref<10240xf32, #tpu.memory_space<hbm>>
      %dma_wait3A_64 = arith.constant 0 : i32
      %dma_wait3A_65 = tpu.memref_slice %arg5[%add3A, %run_scoped3A, %dma_wait3A_64] : memref<32x2x10240xf32, #tpu.memory_space<hbm>> -> memref<1x1x10240xf32, #tpu.memory_space<hbm>>
      %dma_wait3A_66 = tpu.memref_squeeze %dma_wait3A_65 : memref<1x1x10240xf32, #tpu.memory_space<hbm>> -> memref<10240xf32, #tpu.memory_space<hbm>>
      tpu.wait_dma2 semaphore(%run_scoped3A_54 : memref<!tpu.dma_semaphore, #tpu.memory_space<semaphore_mem>>) src(%arg10 : memref<10240xf32, #tpu.memory_space<vmem>>) dst(%dma_wait3A_66 : memref<10240xf32, #tpu.memory_space<hbm>>)
      tpu.yield
    }) : () -> ()
    %run_scoped3A_53 = arith.constant 1 : i32
    "tpu.region"() ({
      %run_scoped3A_54 = tpu.sem_alloc : memref<!tpu.dma_semaphore, #tpu.memory_space<semaphore_mem>>
      %dma_start3A_55 = arith.constant 0 : i32
      %dma_start3A_56 = tpu.memref_slice %arg5[%add3A, %run_scoped3A_53, %dma_start3A_55] : memref<32x2x10240xf32, #tpu.memory_space<hbm>> -> memref<1x1x10240xf32, #tpu.memory_space<hbm>>
      %dma_start3A_57 = tpu.memref_squeeze %dma_start3A_56 : memref<1x1x10240xf32, #tpu.memory_space<hbm>> -> memref<10240xf32, #tpu.memory_space<hbm>>
      %dma_start3A_58 = arith.constant 0 : i32
      %dma_start3A_59 = tpu.memref_slice %arg5[%add3A, %run_scoped3A_53, %dma_start3A_58] : memref<32x2x10240xf32, #tpu.memory_space<hbm>> -> memref<1x1x10240xf32, #tpu.memory_space<hbm>>
      %dma_start3A_60 = tpu.memref_squeeze %dma_start3A_59 : memref<1x1x10240xf32, #tpu.memory_space<hbm>> -> memref<10240xf32, #tpu.memory_space<hbm>>
      tpu.enqueue_dma source(%arg11 : memref<10240xf32, #tpu.memory_space<vmem>>) target(%dma_start3A_60 : memref<10240xf32, #tpu.memory_space<hbm>>) target_semaphore(%run_scoped3A_54 : memref<!tpu.dma_semaphore, #tpu.memory_space<semaphore_mem>>)
      %dma_wait3A_61 = arith.constant 0 : i32
      %dma_wait3A_62 = tpu.memref_slice %arg5[%add3A, %run_scoped3A_53, %dma_wait3A_61] : memref<32x2x10240xf32, #tpu.memory_space<hbm>> -> memref<1x1x10240xf32, #tpu.memory_space<hbm>>
      %dma_wait3A_63 = tpu.memref_squeeze %dma_wait3A_62 : memref<1x1x10240xf32, #tpu.memory_space<hbm>> -> memref<10240xf32, #tpu.memory_space<hbm>>
      %dma_wait3A_64 = arith.constant 0 : i32
      %dma_wait3A_65 = tpu.memref_slice %arg5[%add3A, %run_scoped3A_53, %dma_wait3A_64] : memref<32x2x10240xf32, #tpu.memory_space<hbm>> -> memref<1x1x10240xf32, #tpu.memory_space<hbm>>
      %dma_wait3A_66 = tpu.memref_squeeze %dma_wait3A_65 : memref<1x1x10240xf32, #tpu.memory_space<hbm>> -> memref<10240xf32, #tpu.memory_space<hbm>>
      tpu.wait_dma2 semaphore(%run_scoped3A_54 : memref<!tpu.dma_semaphore, #tpu.memory_space<semaphore_mem>>) src(%arg11 : memref<10240xf32, #tpu.memory_space<vmem>>) dst(%dma_wait3A_66 : memref<10240xf32, #tpu.memory_space<hbm>>)
      tpu.yield
    }) : () -> ()
    return
  }
}

module attributes {stable_mosaic.version = 14 : i64} {
  func.func @_tc_b_body(%arg0: i32, %arg1: memref<32x1024xf32, #tpu.memory_space<vmem>>, %arg2: memref<1024x128xf32, #tpu.memory_space<vmem>>, %arg3: memref<128x32xf32, #tpu.memory_space<vmem>>, %arg4: memref<1024x32xf32, #tpu.memory_space<vmem>>, %arg5: memref<1024x1xf32, #tpu.memory_space<vmem>>) attributes {dimension_semantics = [#tpu.dimension_semantics<arbitrary>], iteration_bounds = array<i64: 10>, scalar_prefetch = 0 : i64, scratch_operands = 0 : i64, tpu.core_type = #tpu.core_type<tc>, window_params = [{transform_indices = @transform_0, window_bounds = array<i64: 32, 1024>}, {transform_indices = @transform_1, window_bounds = array<i64: 1024, 128>}, {pipeline_mode = #tpu.pipeline_mode<synchronous>, transform_indices = @transform_2, window_bounds = array<i64: 128, 32>}, {transform_indices = @transform_3, window_bounds = array<i64: 1024, 32>}, {transform_indices = @transform_4, window_bounds = array<i64: 1024, 1>}]} {
    %get3A = arith.constant 0 : index
    %get3A_0 = arith.constant 0 : index
    %get3A_1 = vector.load %arg1[%get3A, %get3A_0] : memref<32x1024xf32, #tpu.memory_space<vmem>>, vector<32x1024xf32>
    %reduce_sum3A = arith.constant dense<0.000000e+00> : vector<1024xf32>
    %reduce_sum3A_2 = vector.multi_reduction <add>, %get3A_1, %reduce_sum3A [0] : vector<32x1024xf32> to vector<1024xf32>
    %add3A = arith.constant 1.000000e+00 : f32
    %add3A_3 = vector.broadcast %add3A : f32 to vector<1024xf32>
    %add3A_4 = arith.addf %reduce_sum3A_2, %add3A_3 : vector<1024xf32>
    %rsqrt3A = math.rsqrt %add3A_4 : vector<1024xf32>
    %get3A_5 = arith.constant 0 : index
    %get3A_6 = arith.constant 0 : index
    %get3A_7 = vector.load %arg2[%get3A_5, %get3A_6] : memref<1024x128xf32, #tpu.memory_space<vmem>>, vector<1024x128xf32>
    %get3A_8 = arith.constant 0 : index
    %get3A_9 = arith.constant 0 : index
    %get3A_10 = vector.load %arg3[%get3A_8, %get3A_9] : memref<128x32xf32, #tpu.memory_space<vmem>>, vector<128x32xf32>
    %dot_general3A = arith.constant dense<0.000000e+00> : vector<1024x32xf32>
    %dot_general3A_11 = tpu.matmul %get3A_7, %get3A_10, %dot_general3A {dimension_numbers = #tpu.dot_dimension_numbers<[1], [0], [0], [1], [0, 0, 1, 1], [], []>, transpose_lhs_hint = false} : vector<1024x128xf32>, vector<128x32xf32>, vector<1024x32xf32> -> vector<1024x32xf32>
    %broadcast_in_dim3A = vector.shape_cast %rsqrt3A : vector<1024xf32> to vector<1024x1xf32>
    %mul3A = vector.broadcast %broadcast_in_dim3A : vector<1024x1xf32> to vector<1024x32xf32>
    %mul3A_12 = arith.mulf %dot_general3A_11, %mul3A : vector<1024x32xf32>
    %swap3A = arith.constant 0 : index
    %swap3A_13 = arith.constant 0 : index
    %swap3A_14 = vector.load %arg4[%swap3A, %swap3A_13] : memref<1024x32xf32, #tpu.memory_space<vmem>>, vector<1024x32xf32>
    tpu.vector_store %arg4[%swap3A, %swap3A_13], %mul3A_12 {strides = array<i32>} : memref<1024x32xf32, #tpu.memory_space<vmem>>, vector<1024x32xf32>,
    %broadcast_in_dim3A_15 = vector.shape_cast %rsqrt3A : vector<1024xf32> to vector<1024x1xf32>
    %swap3A_16 = arith.constant 0 : index
    %swap3A_17 = arith.constant 0 : index
    %swap3A_18 = vector.load %arg5[%swap3A_16, %swap3A_17] : memref<1024x1xf32, #tpu.memory_space<vmem>>, vector<1024x1xf32>
    tpu.vector_store %arg5[%swap3A_16, %swap3A_17], %broadcast_in_dim3A_15 {strides = array<i32>} : memref<1024x1xf32, #tpu.memory_space<vmem>>, vector<1024x1xf32>,
    return
  }
  func.func @transform_0(%arg0: i32) -> (i32, i32) {
    %c0_i32 = arith.constant 0 : i32
    %c0_i32_0 = arith.constant 0 : i32
    return %c0_i32, %arg0 : i32, i32
  }
  func.func @transform_1(%arg0: i32) -> (i32, i32) {
    %c0_i32 = arith.constant 0 : i32
    %c0_i32_0 = arith.constant 0 : i32
    return %arg0, %c0_i32 : i32, i32
  }
  func.func @transform_2(%arg0: i32) -> (i32, i32) {
    %c0_i32 = arith.constant 0 : i32
    %c0_i32_0 = arith.constant 0 : i32
    %c0_i32_1 = arith.constant 0 : i32
    return %c0_i32, %c0_i32_0 : i32, i32
  }
  func.func @transform_3(%arg0: i32) -> (i32, i32) {
    %c0_i32 = arith.constant 0 : i32
    %c0_i32_0 = arith.constant 0 : i32
    return %arg0, %c0_i32 : i32, i32
  }
  func.func @transform_4(%arg0: i32) -> (i32, i32) {
    %c0_i32 = arith.constant 0 : i32
    %c0_i32_0 = arith.constant 0 : i32
    return %arg0, %c0_i32 : i32, i32
  }
}

module attributes {stable_mosaic.version = 14 : i64} {
  func.func @_tc_d_body(%arg0: i32, %arg1: memref<2x1024x32xf32, #tpu.memory_space<vmem>>, %arg2: memref<1024x32xf32, #tpu.memory_space<vmem>>, %arg3: memref<1024x1xf32, #tpu.memory_space<vmem>>, %arg4: memref<1x32xf32, #tpu.memory_space<vmem>>, %arg5: memref<32x2xf32, #tpu.memory_space<vmem>>, %arg6: memref<2x1024xf32, #tpu.memory_space<vmem>>) attributes {dimension_semantics = [#tpu.dimension_semantics<arbitrary>], iteration_bounds = array<i64: 10>, scalar_prefetch = 0 : i64, scratch_operands = 0 : i64, tpu.core_type = #tpu.core_type<tc>, window_params = [{transform_indices = @transform_0, window_bounds = array<i64: 2, 1024, 32>}, {transform_indices = @transform_1, window_bounds = array<i64: 1024, 32>}, {transform_indices = @transform_2, window_bounds = array<i64: 1024, 1>}, {pipeline_mode = #tpu.pipeline_mode<synchronous>, transform_indices = @transform_3, window_bounds = array<i64: 1, 32>}, {pipeline_mode = #tpu.pipeline_mode<synchronous>, transform_indices = @transform_4, window_bounds = array<i64: 32, 2>}, {transform_indices = @transform_5, window_bounds = array<i64: 2, 1024>}]} {
    %get3A = arith.constant 0 : index
    %get3A_0 = arith.constant 0 : index
    %get3A_1 = arith.constant 0 : index
    %get3A_2 = vector.load %arg1[%get3A, %get3A_0, %get3A_1] : memref<2x1024x32xf32, #tpu.memory_space<vmem>>, vector<1x1024x32xf32>
    %get3A_3 = vector.shape_cast %get3A_2 : vector<1x1024x32xf32> to vector<1024x32xf32>
    %get3A_4 = arith.constant 1 : index
    %get3A_5 = arith.constant 0 : index
    %get3A_6 = arith.constant 0 : index
    %get3A_7 = vector.load %arg1[%get3A_4, %get3A_5, %get3A_6] : memref<2x1024x32xf32, #tpu.memory_space<vmem>>, vector<1x1024x32xf32>
    %get3A_8 = vector.shape_cast %get3A_7 : vector<1x1024x32xf32> to vector<1024x32xf32>
    %add3A = arith.addf %get3A_3, %get3A_8 : vector<1024x32xf32>
    %get3A_9 = arith.constant 0 : index
    %get3A_10 = arith.constant 0 : index
    %get3A_11 = vector.load %arg2[%get3A_9, %get3A_10] : memref<1024x32xf32, #tpu.memory_space<vmem>>, vector<1024x32xf32>
    %add3A_12 = arith.addf %add3A, %get3A_11 : vector<1024x32xf32>
    %get3A_13 = arith.constant 0 : index
    %get3A_14 = arith.constant 0 : index
    %get3A_15 = vector.load %arg3[%get3A_13, %get3A_14] : memref<1024x1xf32, #tpu.memory_space<vmem>>, vector<1024x1xf32>
    %mul3A = vector.broadcast %get3A_15 : vector<1024x1xf32> to vector<1024x32xf32>
    %mul3A_16 = arith.mulf %mul3A, %add3A_12 : vector<1024x32xf32>
    %get3A_17 = arith.constant 0 : index
    %get3A_18 = arith.constant 0 : index
    %get3A_19 = vector.load %arg4[%get3A_17, %get3A_18] : memref<1x32xf32, #tpu.memory_space<vmem>>, vector<1x32xf32>
    %add3A_20 = vector.broadcast %get3A_19 : vector<1x32xf32> to vector<1024x32xf32>
    %add3A_21 = arith.addf %mul3A_16, %add3A_20 : vector<1024x32xf32>
    %max3A = arith.constant 0.000000e+00 : f32
    %max3A_22 = vector.broadcast %max3A : f32 to vector<1024x32xf32>
    %max3A_23 = arith.maximumf %add3A_21, %max3A_22 : vector<1024x32xf32>
    %mul3A_24 = vector.broadcast %get3A_15 : vector<1024x1xf32> to vector<1024x32xf32>
    %mul3A_25 = arith.mulf %max3A_23, %mul3A_24 : vector<1024x32xf32>
    %mul3A_26 = arith.constant 1024 : i32
    %mul3A_27 = arith.muli %arg0, %mul3A_26 : i32
    %iota3A = tpu.iota {dimensions = array<i32: 0>} : vector<1024x1xi32>
    %add3A_28 = vector.broadcast %mul3A_27 : i32 to vector<1024x1xi32>
    %add3A_29 = arith.addi %add3A_28, %iota3A : vector<1024x1xi32>
    %lt3A = arith.constant 10000 : i32
    %lt3A_30 = vector.broadcast %lt3A : i32 to vector<1024x1xi32>
    %lt3A_31 = arith.cmpi slt, %add3A_29, %lt3A_30 : vector<1024x1xi32>
    %jit3A = arith.constant 0.000000e+00 : f32
    %broadcast_in_dim3A = vector.shape_cast %lt3A_31 : vector<1024x1xi1> to vector<1024x1xi1>
    %broadcast_in_dim3A_32 = vector.broadcast %broadcast_in_dim3A : vector<1024x1xi1> to vector<1024x32xi1>
    %broadcast_in_dim3A_33 = vector.broadcast %jit3A : f32 to vector<1024x32xf32>
    %select_n3A = arith.select %broadcast_in_dim3A_32, %mul3A_25, %broadcast_in_dim3A_33 : vector<1024x32xi1>, vector<1024x32xf32>
    %get3A_34 = arith.constant 0 : index
    %get3A_35 = arith.constant 0 : index
    %get3A_36 = vector.load %arg5[%get3A_34, %get3A_35] : memref<32x2xf32, #tpu.memory_space<vmem>>, vector<32x2xf32>
    %dot_general3A = arith.constant dense<0.000000e+00> : vector<1024x2xf32>
    %dot_general3A_37 = tpu.matmul %select_n3A, %get3A_36, %dot_general3A {dimension_numbers = #tpu.dot_dimension_numbers<[1], [0], [0], [1], [0, 0, 1, 1], [], []>, transpose_lhs_hint = false} : vector<1024x32xf32>, vector<32x2xf32>, vector<1024x2xf32> -> vector<1024x2xf32>
    %transpose3A = tpu.transpose %dot_general3A_37, [1, 0] : vector<1024x2xf32> -> vector<2x1024xf32>
    %swap3A = arith.constant 0 : index
    %swap3A_38 = arith.constant 0 : index
    %swap3A_39 = vector.load %arg6[%swap3A, %swap3A_38] : memref<2x1024xf32, #tpu.memory_space<vmem>>, vector<2x1024xf32>
    tpu.vector_store %arg6[%swap3A, %swap3A_38], %transpose3A {strides = array<i32>} : memref<2x1024xf32, #tpu.memory_space<vmem>>, vector<2x1024xf32>,
    return
  }
  func.func @transform_0(%arg0: i32) -> (i32, i32, i32) {
    %c0_i32 = arith.constant 0 : i32
    %c0_i32_0 = arith.constant 0 : i32
    %c0_i32_1 = arith.constant 0 : i32
    return %c0_i32, %arg0, %c0_i32_0 : i32, i32, i32
  }
  func.func @transform_1(%arg0: i32) -> (i32, i32) {
    %c0_i32 = arith.constant 0 : i32
    %c0_i32_0 = arith.constant 0 : i32
    return %arg0, %c0_i32 : i32, i32
  }
  func.func @transform_2(%arg0: i32) -> (i32, i32) {
    %c0_i32 = arith.constant 0 : i32
    %c0_i32_0 = arith.constant 0 : i32
    return %arg0, %c0_i32 : i32, i32
  }
  func.func @transform_3(%arg0: i32) -> (i32, i32) {
    %c0_i32 = arith.constant 0 : i32
    %c0_i32_0 = arith.constant 0 : i32
    %c0_i32_1 = arith.constant 0 : i32
    return %c0_i32, %c0_i32_0 : i32, i32
  }
  func.func @transform_4(%arg0: i32) -> (i32, i32) {
    %c0_i32 = arith.constant 0 : i32
    %c0_i32_0 = arith.constant 0 : i32
    %c0_i32_1 = arith.constant 0 : i32
    return %c0_i32, %c0_i32_0 : i32, i32
  }
  func.func @transform_5(%arg0: i32) -> (i32, i32) {
    %c0_i32 = arith.constant 0 : i32
    %c0_i32_0 = arith.constant 0 : i32
    return %c0_i32, %arg0 : i32, i32
  }
}

module attributes {stable_mosaic.version = 14 : i64} {
  func.func @_tc_e_body(%arg0: i32, %arg1: memref<32x2x1024xf32, #tpu.memory_space<vmem>>, %arg2: memref<2x1024xf32, #tpu.memory_space<vmem>>, %arg3: memref<1x1024xf32, #tpu.memory_space<vmem>>, %arg4: memref<2x1xf32, #tpu.memory_space<vmem>>, %arg5: memref<2x1024xf32, #tpu.memory_space<vmem>>) attributes {dimension_semantics = [#tpu.dimension_semantics<arbitrary>], iteration_bounds = array<i64: 10>, scalar_prefetch = 0 : i64, scratch_operands = 0 : i64, tpu.core_type = #tpu.core_type<tc>, window_params = [{transform_indices = @transform_0, window_bounds = array<i64: 32, 2, 1024>}, {transform_indices = @transform_1, window_bounds = array<i64: 2, 1024>}, {transform_indices = @transform_2, window_bounds = array<i64: 1, 1024>}, {pipeline_mode = #tpu.pipeline_mode<synchronous>, transform_indices = @transform_3, window_bounds = array<i64: 2, 1>}, {transform_indices = @transform_4, window_bounds = array<i64: 2, 1024>}]} {
    %get3A = arith.constant 0 : index
    %get3A_0 = arith.constant 0 : index
    %get3A_1 = arith.constant 0 : index
    %get3A_2 = vector.load %arg1[%get3A, %get3A_0, %get3A_1] : memref<32x2x1024xf32, #tpu.memory_space<vmem>>, vector<32x2x1024xf32>
    %reduce_sum3A = arith.constant dense<0.000000e+00> : vector<2x1024xf32>
    %reduce_sum3A_3 = vector.multi_reduction <add>, %get3A_2, %reduce_sum3A [0] : vector<32x2x1024xf32> to vector<2x1024xf32>
    %get3A_4 = arith.constant 0 : index
    %get3A_5 = arith.constant 0 : index
    %get3A_6 = vector.load %arg3[%get3A_4, %get3A_5] : memref<1x1024xf32, #tpu.memory_space<vmem>>, vector<1x1024xf32>
    %get3A_7 = arith.constant 0 : index
    %get3A_8 = arith.constant 0 : index
    %get3A_9 = vector.load %arg2[%get3A_7, %get3A_8] : memref<2x1024xf32, #tpu.memory_space<vmem>>, vector<2x1024xf32>
    %add3A = arith.addf %reduce_sum3A_3, %get3A_9 : vector<2x1024xf32>
    %mul3A = vector.broadcast %get3A_6 : vector<1x1024xf32> to vector<2x1024xf32>
    %mul3A_10 = arith.mulf %mul3A, %add3A : vector<2x1024xf32>
    %get3A_11 = arith.constant 0 : index
    %get3A_12 = arith.constant 0 : index
    %get3A_13 = vector.load %arg4[%get3A_11, %get3A_12] : memref<2x1xf32, #tpu.memory_space<vmem>>, vector<2x1xf32>
    %add3A_14 = vector.broadcast %get3A_13 : vector<2x1xf32> to vector<2x1024xf32>
    %add3A_15 = arith.addf %mul3A_10, %add3A_14 : vector<2x1024xf32>
    %reduce_max3A = arith.constant dense<0xFF800000> : vector<1024xf32>
    %reduce_max3A_16 = vector.multi_reduction <maximumf>, %add3A_15, %reduce_max3A [0] : vector<2x1024xf32> to vector<1024xf32>
    %broadcast_in_dim3A = vector.shape_cast %reduce_max3A_16 : vector<1024xf32> to vector<1x1024xf32>
    %sub3A = vector.broadcast %broadcast_in_dim3A : vector<1x1024xf32> to vector<2x1024xf32>
    %sub3A_17 = arith.subf %add3A_15, %sub3A : vector<2x1024xf32>
    %exp3A = math.exp %sub3A_17 : vector<2x1024xf32>
    %reduce_sum3A_18 = arith.constant dense<0.000000e+00> : vector<1024xf32>
    %reduce_sum3A_19 = vector.multi_reduction <add>, %exp3A, %reduce_sum3A_18 [0] : vector<2x1024xf32> to vector<1024xf32>
    %broadcast_in_dim3A_20 = vector.shape_cast %reduce_sum3A_19 : vector<1024xf32> to vector<1x1024xf32>
    %log3A = math.log %broadcast_in_dim3A_20 : vector<1x1024xf32>
    %add3A_21 = arith.addf %broadcast_in_dim3A, %log3A : vector<1x1024xf32>
    %sub3A_22 = vector.broadcast %add3A_21 : vector<1x1024xf32> to vector<2x1024xf32>
    %sub3A_23 = arith.subf %add3A_15, %sub3A_22 : vector<2x1024xf32>
    %swap3A = arith.constant 0 : index
    %swap3A_24 = arith.constant 0 : index
    %swap3A_25 = vector.load %arg5[%swap3A, %swap3A_24] : memref<2x1024xf32, #tpu.memory_space<vmem>>, vector<2x1024xf32>
    tpu.vector_store %arg5[%swap3A, %swap3A_24], %sub3A_23 {strides = array<i32>} : memref<2x1024xf32, #tpu.memory_space<vmem>>, vector<2x1024xf32>,
    return
  }
  func.func @transform_0(%arg0: i32) -> (i32, i32, i32) {
    %c0_i32 = arith.constant 0 : i32
    %c0_i32_0 = arith.constant 0 : i32
    %c0_i32_1 = arith.constant 0 : i32
    return %c0_i32, %c0_i32_0, %arg0 : i32, i32, i32
  }
  func.func @transform_1(%arg0: i32) -> (i32, i32) {
    %c0_i32 = arith.constant 0 : i32
    %c0_i32_0 = arith.constant 0 : i32
    return %c0_i32, %arg0 : i32, i32
  }
  func.func @transform_2(%arg0: i32) -> (i32, i32) {
    %c0_i32 = arith.constant 0 : i32
    %c0_i32_0 = arith.constant 0 : i32
    return %c0_i32, %arg0 : i32, i32
  }
  func.func @transform_3(%arg0: i32) -> (i32, i32) {
    %c0_i32 = arith.constant 0 : i32
    %c0_i32_0 = arith.constant 0 : i32
    %c0_i32_1 = arith.constant 0 : i32
    return %c0_i32, %c0_i32_0 : i32, i32
  }
  func.func @transform_4(%arg0: i32) -> (i32, i32) {
    %c0_i32 = arith.constant 0 : i32
    %c0_i32_0 = arith.constant 0 : i32
    return %c0_i32, %arg0 : i32, i32
  }
}

</mosaic_0001>

<sc_bundles>
// kernel: kernel.11.cloned.1.call-start
scs
__scs_entry_jumppad:
0x0: {  	(pc) =	sbr.rel $0x88, $3  }
0x1: {  	(tag) =	ssettag $0x0;
	lr =	simm.s32 $0x1  }
0x2: {  	[smem:$0x3F9B] =	sst lr;
	_ =	strace $0xD0000000  }
0x3: {  	_ = 	snop  }
0x4: {  	_ = 	snop  }
0x5: {  	_ = 	snop  }
0x6: {  	_ = 	snop  }
0x7: {  	_ = 	snop  }
__scs_overlays_trampoline_lowered:
0x8: {  	[smem:$0x3FAA] =	sst s0  }
0x9: {  	[smem:$0x3FAB] =	sst s1  }
0xa: {  	[smem:$0x3FAC] =	sst s2  }
0xb: {  	[smem:$0x3FAD] =	sst s3  }
0xc: {  	[smem:$0x3FAE] =	sst s4  }
0xd: {  	[smem:$0x3FAF] =	sst s5  }
0xe: {  	[smem:$0x3FB0] =	sst s6  }
0xf: {  	[smem:$0x3FB1] =	sst s7  }
0x10: {  	[smem:$0x3FB2] =	sst s8  }
0x11: {  	[smem:$0x3FB3] =	sst s9;
	s0 =	simm.s32 @!p0 $0x0  }
0x12: {  	s1 =	sld [smem:$0x3F99];
	s0 =	simm.s32 @p0 $0x1  }
0x13: {  	[smem:$0x3FB4] =	sst s0;
	s0 =	simm.s32 @!p1 $0x0  }
0x14: {  	s2 =	sld [smem:$0x3F98];
	s0 =	simm.s32 @p1 $0x1  }
0x15: {  	[smem:$0x3FB5] =	sst s0;
	s0 =	simm.s32 @!p2 $0x0  }
0x16: {  	s3 =	sld [smem:$0x3FDB];
	s0 =	simm.s32 @p2 $0x1  }
0x17: {  	s4 =	simm.s32 $0x1BF5;
	[smem:$0x3FB7] =	sst s0  }
0x18: {  	s0 =	sld [smem:$0x3F9A];
	_ =	swait.ge [sflag:s4], $0x0  }
0x19: {  	s7 =	sld [smem:$0x3F9B]  }
0x1a: {  	s8 =	sadd.s32 $0xFFFFE003, lr  }
0x1b: {  	s9 =	sadd.s32 $0xFFFFFEF7, lr;
	s5 =	simm.s32 $0xFFFFFFFF;
	p2 =	slt.u32 s8, $0xFFFFF086  }
0x1c: {  	p1 =	slt.u32 s9, $0xF7A;
	s5 =	simm.s32 @!p2 $0x0  }
0x1d: {  	s5 =	simm.s32 @p1 $0x1;
	p0 =	seq.s32 s7, s2  }
0x1e: {  	s7 =	smul.u32 @!p0 $0xF7A, s2;
	p2 =	seq.s32 @!p0 s5, $0x0  }
0x1f: {  	s9 =	smul.u32 $0xF7A, s1;
	s8 =	simm.s32 @!p0 $0x1BF5;
	p2 =	por !p2, p0  }
0x20: {  	[sflag:s8] =	ssyncset.s32 @!p0 $0xFFFFF086;
	s6 =	sadd.s32 @!p0 s3, s7;
	s7 =	simm.s32 @!p0 $0x108  }
0x21: {  	s3 =	sadd.s32 s3, s9;
	s6 =	sadd.s32 @!p0 $0x88, s6;
	s7 =	simm.s32 @p2 $0x1082  }
0x22: {  	[simem:s7], [sflag:s8] =	dma.local @!p0 [hbm:s6], $0xF7A  }
0x23: {  	s9 =	sor.u32 $0xD0000000, s2;
	s6 =	simm.s32 $0x108;
	_ =	swait.ge @!p0 [sflag:s8], $0x0  }
0x24: {  	s3 =	sadd.s32 $0x88, s3;
	s6 =	simm.s32 @!p1 $0x1082;
	[sflag:s4] =	ssyncset.s32 $0xFFFFF086  }
0x25: {  	[simem:s6], [sflag:s4] =	dma.local [hbm:s3], $0xF7A  }
0x26: {  	[smem:$0x3F9B] =	sst s1;
	(tag) =	ssettag s2;
	_ =	strace s9  }
0x27: {  	s1 =	sld [smem:$0x3FAB]  }
0x28: {  	s2 =	sld [smem:$0x3FAC]  }
0x29: {  	s4 =	sld [smem:$0x3FAE]  }
0x2a: {  	p0 =	seq.s32 s5, $0x0;
	s5 =	sld [smem:$0x3FAF]  }
0x2b: {  	s6 =	sld [smem:$0x3FB0]  }
0x2c: {  	s7 =	sld [smem:$0x3FB1]  }
0x2d: {  	s3 =	simm.s32 $0x108;
	s8 =	sld [smem:$0x3FB2]  }
0x2e: {  	s3 =	simm.s32 @!p0 $0x1082;
	s9 =	sld [smem:$0x3FB3]  }
0x2f: {  	lr =	sadd.s32 s0, s3;
	s0 =	sld [smem:$0x3FAA]  }
0x30: {  	s3 =	sld [smem:$0x3FAD]  }
0x31: {  	[smem:$0x3FB6] =	sst s10  }
0x32: {  	s10 =	sld [smem:$0x3FB4];
	_ =	sdelay $0x3  }
0x33: {  	p0 =	seq.s32 s10, $0x1;
	s10 =	sld [smem:$0x3FB6];
	_ =	sdelay $0x3  }
0x34: {  	[smem:$0x3FB6] =	sst s10  }
0x35: {  	s10 =	sld [smem:$0x3FB5];
	_ =	sdelay $0x3  }
0x36: {  	p1 =	seq.s32 s10, $0x1;
	s10 =	sld [smem:$0x3FB6];
	_ =	sdelay $0x3  }
0x37: {  	[smem:$0x3FB6] =	sst s10  }
0x38: {  	s10 =	sld [smem:$0x3FB7]  }
0x39: {  	_ = 	snop;
	(pc) =	sbr.ind lr, $3  }
0x3a: {  	_ = 	snop  }
0x3b: {  	_ = 	snop  }
0x3c: {  	p2 =	seq.s32 s10, $0x1;
	s10 =	sld [smem:$0x3FB6]  }
0x3d: {  	_ =	shalt  }
0x3e: {  	_ =	shalt  }
0x3f: {  	_ =	shalt  }
0x40: {  	_ =	shalt  }
0x41: {  	_ =	shalt  }
0x42: {  	_ =	shalt  }
0x43: {  	_ =	shalt  }
0x44: {  	_ =	shalt  }
0x45: {  	_ =	shalt  }
0x46: {  	_ =	shalt  }
0x47: {  	_ =	shalt  }
0x48: {  	_ =	shalt  }
0x49: {  	_ =	shalt  }
0x4a: {  	_ =	shalt  }
0x4b: {  	_ =	shalt  }
0x4c: {  	_ =	shalt  }
0x4d: {  	_ =	shalt  }
0x4e: {  	_ =	shalt  }
0x4f: {  	_ =	shalt  }
0x50: {  	_ =	shalt  }
0x51: {  	_ =	shalt  }
0x52: {  	_ =	shalt  }
0x53: {  	_ =	shalt  }
0x54: {  	_ =	shalt  }
0x55: {  	_ =	shalt  }
0x56: {  	_ =	shalt  }
0x57: {  	_ =	shalt  }
0x58: {  	_ =	shalt  }
0x59: {  	_ =	shalt  }
0x5a: {  	_ =	shalt  }
0x5b: {  	_ =	shalt  }
0x5c: {  	_ =	shalt  }
0x5d: {  	_ =	shalt  }
0x5e: {  	_ =	shalt  }
0x5f: {  	_ =	shalt  }
0x60: {  	_ =	shalt  }
0x61: {  	_ =	shalt  }
0x62: {  	_ =	shalt  }
0x63: {  	_ =	shalt  }
0x64: {  	_ =	shalt  }
0x65: {  	_ =	shalt  }
0x66: {  	_ =	shalt  }
0x67: {  	_ =	shalt  }
0x68: {  	_ =	shalt  }
0x69: {  	_ =	shalt  }
0x6a: {  	_ =	shalt  }
0x6b: {  	_ =	shalt  }
0x6c: {  	_ =	shalt  }
0x6d: {  	_ =	shalt  }
0x6e: {  	_ =	shalt  }
0x6f: {  	_ =	shalt  }
0x70: {  	_ =	shalt  }
0x71: {  	_ =	shalt  }
0x72: {  	_ =	shalt  }
0x73: {  	_ =	shalt  }
0x74: {  	_ =	shalt  }
0x75: {  	_ =	shalt  }
0x76: {  	_ =	shalt  }
0x77: {  	_ =	shalt  }
0x78: {  	_ =	shalt  }
0x79: {  	_ =	shalt  }
0x7a: {  	_ =	shalt  }
0x7b: {  	_ =	shalt  }
0x7c: {  	_ =	shalt  }
0x7d: {  	_ =	shalt  }
0x7e: {  	_ =	shalt  }
0x7f: {  	_ =	shalt  }
0x80: {  	_ =	shalt  }
0x81: {  	_ =	shalt  }
0x82: {  	_ =	shalt  }
0x83: {  	_ =	shalt  }
0x84: {  	_ =	shalt  }
0x85: {  	_ =	shalt  }
0x86: {  	_ =	shalt  }
0x87: {  	_ =	shalt  }
.Lfunc_end0:
.L_simem_size_0:
called_computation.1_lowered:
.L_overlay_start_0:
0x88: {  	s2 =	sld [smem:$0x3FD9]  }
0x89: {  	s3 =	sld [smem:$0x3FFE];
	_ =	sdelay $0x1  }
0x8a: {  	s1 =	srdreg.scid  }
0x8b: {  	s0 =	sand.u32 $0x1, s1  }
0x8c: {  	s16 =	sshll.u32 s0, $0xA;
	s2 =	sadd.s32 s3, s2  }
0x8d: {  	s2 =	sadd.s32 s2, s16  }
0x8e: {  	[smem:$0x3FC2] =	sst s2  }
0x8f: {  	_ = 	snop  }
0x90: {  	(tm) =	ssettm $0x1  }
0x91: {  	s17 =	sld [smem:$0x3FFB];
	_ =	sdelay $0x3  }
0x92: {  	_ =	strace s17  }
0x93: {  	s2 =	sld [smem:$0x3FFC];
	_ =	sdelay $0x3  }
0x94: {  	_ =	strace s2  }
0x95: {  	s2 =	sld [smem:$0x3FFD];
	_ =	sdelay $0x3  }
0x96: {  	_ =	strace s2  }
0x97: {  	_ =	strace $0x8FFFFFFF  }
0x98: {  	s18 =	sld [smem:$0x3FDB];
	_ =	sdelay $0x1  }
0x99: {  	s19 =	simm.s32 $_scs_section_size  }
0x9a: {  	s4 =	simm.s32 $_size__tile_overlayer_lowered;
	s5 =	simm.s32 $_tile_overlayer_lowered  }
0x9b: {  	s22 =	simm.s32 $0x1BFF;
	s21 =	sshll.u32 s5, $0x1;
	s2 =	sadd.s32 s19, s18  }
0x9c: {  	s6 =	simm.s32 $0x0;
	s20 =	sshll.u32 s4, $0x1;
	s4 =	sadd.s32 s21, s2  }
0x9d: {  	[timem:s6], [sflag:s22] =	dma.local [hbm:s4], s20  }
0x9e: {  	_ =	swait.ge [sflag:s22], s20  }
0x9f: {  	s3 =	ssub.s32 $0x0, s20;
	[sflag:s22] =	ssyncset.done $0x0  }
0xa0: {  	[sflag:s22] =	ssyncadd.s32 s3;
	_ =	sdelay $0x1  }
0xa1: {  	s23 =	simm.s32 $0x1B8B  }
0xa2: {  	_ =	swait.ge [sflag:s23], $0x1  }
0xa3: {  	[sflag:s23] =	ssyncset.done $0x0  }
0xa4: {  	s25 =	simm.s32 $0x1B8E;
	s24 =	sld [smem:$0x3FFE];
	[sflag:s23] =	ssyncadd.s32 $0xFFFFFFFF  }
0xa5: {  	s26 =	simm.s32 $execute0_lowered;
	[smem:$0x3FD2] =	sst s25  }
0xa6: {  	s4 =	sshll.u32 s26, $0x1;
	_ =	strace $0x80000049;
	[dreg:$0x1] =	wrdreg $0xFFFFFFFF  }
0xa7: {  	s28 =	simm.s32 $_size_execute0_lowered;
	s2 =	sadd.s32 s2, s4;
	[dreg:$0x0] =	wrdreg $0x0  }
0xa8: {  	s4 =	sshll.u32 s28, $0x1;
	[dreg:$0x2] =	wrdreg s2  }
0xa9: {  	[dreg:$0x3] =	wrdreg s4  }
0xaa: {  	[dreg:$0x4] =	wrdreg $0xC0  }
0xab: {  	_ =	task [dreg:s6], $0x5FFFF  }
0xac: {  	[dreg:$0x1] =	wrdreg $0xFFFFFFFF  }
0xad: {  	[dreg:$0x0] =	wrdreg $0x60  }
0xae: {  	[dreg:$0x2] =	wrdreg s24  }
0xaf: {  	[dreg:$0x3] =	wrdreg $0x120000  }
0xb0: {  	[dreg:$0x4] =	wrdreg $0xD0000  }
0xb1: {  	[dreg:$0x5] =	wrdreg $0x9  }
0xb2: {  	_ =	task.clear_ibuf [dreg:s6], $0x6FFFF;
	_ =	strace $0x90000049  }
0xb3: {  	s29 =	simm.s32 $0x9;
	_ =	strace $0x8000004B  }
0xb4: {  	_ =	swait.ge [sflag:s29], $0x1  }
0xb5: {  	[sflag:s29] =	ssyncadd.s32 $0xFFFFFFFF  }
0xb6: {  	_ =	strace $0x9000004B  }
0xb7: {  	_ =	sfence  }
0xb8: {  	s30 =	sld [smem:$0x0];
	_ =	sdelay $0x2  }
0xb9: {  	s31 =	sshll.u32 s1, $0xD;
	s1 =	sshrl.u32 s1, $0x2  }
0xba: {  	s3 =	sand.u32 $0x4000, s31;
	s1 =	sadd.s32 s1, s30  }
0xbb: {  	s0 =	sor.u32 s3, s0;
	s1 =	sshll.u32 s1, $0x11  }
0xbc: {  	s0 =	sor.u32 s1, s0  }
0xbd: {  	s0 =	sadd.s32 $0x8F2B, s0  }
0xbe: {  	[sflag:s0] =	ssyncadd.remote.s32 $0x1  }
0xbf: {  	_ =	sfence.sel $0xFFFF  }
0xc0: {  	[dreg:$0x0] =	wrdreg $0xFFFFFFFF;
	(pc) =	sbr.abs _section_cstart, $3  }
0xc1: {  	[dreg:$0x1] =	wrdreg $0xFFFFFFFF  }
0xc2: {  	_ =	task.clear_ibuf [dreg:s6], $0x2FFFF;
	_ =	strace $0x9FFFFFFF  }
0xc3: {  	(tm) =	ssettm $0x7FFFFFFF  }
tec
execute0_lowered:
.L_overlay_start_1:
0x0: {  	(tag) =	ssettag $0x1  }
0x1: {  	s0 =	rddreg [dreg:$0x0]  }
0x2: {  	s2 =	rddreg [dreg:$0x1]  }
0x3: {  	s3 =	rddreg [dreg:$0x2];
	s6 =	simm.s32 $0x0;
	s9 =	stileid.u32  }
0x4: {  	s1 =	srdreg.scid;
	s17 =	simm.s32 $0x80;
	s18 =	simm.s32 $0x5000  }
0x5: {  	s19 =	simm.s32 $0x6000;
	s28 =	simm.s32 $0x4;
	s29 =	simm.s32 $0xC000  }
0x6: {  	s30 =	simm.s32 $0x5;
	s31 =	simm.s32 $0x9000;
	s13 =	simm.s32 $0x7  }
0x7: {  	s20 =	simm.s32 $0xB000;
	s11 =	simm.s32 $0xB;
	s4 =	smul.u32 $0x5000, s9  }
0x8: {  	s1 =	sand.u32 $0x1, s1;
	s5 =	sshll.u32 s9, $0x1;
	[smem:$0x7FF] =	sst s6  }
0x9: {  	s10 =	sadd.s32 $0x1F800, s0;
	s23 =	sshll.u32 s9, $0x6;
	s5 =	sor.u32 s1, s5  }
0xa: {  	s21 =	smul.u32 $0x50000, s1;
	_ =	strace $0x8000004A;
	[dreg:$0x4] =	wrdreg s10  }
0xb: {  	s1 =	ssub.s32 $0x2, s1;
	[dreg:$0x7] =	wrdreg s23;
	s7 =	sshrl.u32 s4, $0x3  }
0xc: {  	s5 =	smul.u32 $0x500, s5;
	s8 =	sshrl.u32 s1, $0x1;
	s24 =	sadd.s32 s4, s2  }
0xd: {  	s7 =	sadd.s32 s7, s0;
	s6 =	sadd.s32 s4, s21;
	s1 =	ssub.s32 s1, s8  }
0xe: {  	s4 =	sadd.s32 s4, s3;
	s26 =	sshrl.u32 s24, $0x3;
	s21 =	simm.s32 $0x7000  }
0xf: {  	s24 =	simm.s32 $0x1;
	s8 =	simm.s32 $0xC;
	s5 =	sadd.s32 s5, s0  }
0x10: {  	s6 =	sshrl.u32 s6, $0x3;
	s7 =	sadd.s32 $0xB800, s7;
	[dreg:$0xc] =	wrdreg s26  }
0x11: {  	s25 =	smax.u32 s1, $0x1;
	s14 =	sshrl.u32 s4, $0x3;
	[dreg:$0x8] =	wrdreg s7  }
0x12: {  	s26 =	simm.s32 $0x3;
	s1 =	simm.s32 $0xA000;
	[dreg:$0xb] =	wrdreg s25  }
0x13: {  	s0 =	sadd.s32 s6, s0;
	s22 =	sadd.s32 $0x15800, s5;
	[dreg:$0xd] =	wrdreg s14  }
.Ltmp0:
0x14: {  	s5 =	sadd.s32 $0x1800, s5;
	[dreg:$0x5] =	wrdreg s22;
	(pc) =	sbr.rel .LBB2_1-.Ltmp0, $4  }
0x15: {  	s6 =	sor.u32 $0x1C11, s23;
	s23 =	simm.s32 $0x8000;
	[dreg:$0x6] =	wrdreg s5  }
0x16: {  	s25 =	simm.s32 $0x2;
	s7 =	simm.s32 $0xA;
	[dreg:$0x9] =	wrdreg s6  }
0x17: {  	s0 =	sadd.s32 $0x20200, s0;
	s22 =	simm.s32 $0x8;
	s5 =	simm.s32 $0x9  }
0x18: {  	s6 =	simm.s32 $0x0;
	[dreg:$0xa] =	wrdreg s0;
	s0 =	simm.s32 $0x6  }
.LBB2_4:
0x19: {  	s4 =	simm.s32 $0xD  }
0x1a: {  	_ =	swait.ge [sflag:s4], $0x1000  }
0x1b: {  	[sflag:s4] =	ssyncset.done $0x0  }
0x1c: {  	[sflag:s4] =	ssyncadd.s32 $0xFFFFF000  }
0x1d: {  	_ =	swait.ge [sflag:s7], $0x1000  }
0x1e: {  	[sflag:s7] =	ssyncset.done $0x0  }
0x1f: {  	s9 =	simm.s32 $0xE;
	[sflag:s7] =	ssyncadd.s32 $0xFFFFF000  }
0x20: {  	_ =	swait.ge [sflag:s9], $0x1000  }
0x21: {  	[sflag:s9] =	ssyncset.done $0x0  }
0x22: {  	[sflag:s9] =	ssyncadd.s32 $0xFFFFF000  }
0x23: {  	_ =	swait.ge [sflag:s11], $0x1000  }
0x24: {  	[sflag:s11] =	ssyncset.done $0x0  }
0x25: {  	s10 =	simm.s32 $0xF;
	[sflag:s11] =	ssyncadd.s32 $0xFFFFF000  }
0x26: {  	_ =	swait.ge [sflag:s10], $0x1000  }
0x27: {  	[sflag:s10] =	ssyncset.done $0x0  }
0x28: {  	[sflag:s10] =	ssyncadd.s32 $0xFFFFF000  }
0x29: {  	_ =	swait.ge [sflag:s8], $0x1000  }
0x2a: {  	[sflag:s8] =	ssyncset.done $0x0  }
0x2b: {  	s12 =	simm.s32 $0x10;
	[sflag:s8] =	ssyncadd.s32 $0xFFFFF000  }
0x2c: {  	_ =	swait.ge [sflag:s12], $0x1000  }
0x2d: {  	[sflag:s12] =	ssyncset.done $0x0  }
0x2e: {  	[sflag:s12] =	ssyncadd.s32 $0xFFFFF000  }
0x2f: {  	[bflag:$0x0] =	sbarrier.arrive $0xFFFF  }
0x30: {  	s14 =	rddreg [dreg:$0x7]  }
0x31: {  	s9 =	rddreg [dreg:$0xa]  }
0x32: {  	s15 =	simm.s32 $0x12;
	s4 =	sor.u32 $0x1C12, s14;
	s14 =	rddreg [dreg:$0xd]  }
0x33: {  	[hbm:s9], [sflag:s4] =	dma.local [spmem:s14], $0xA00  }
0x34: {  	_ =	swait.ge [sflag:s15], $0xA00  }
0x35: {  	s6 =	sadd.s32 $0x1, s6;
	s16 =	rddreg [dreg:$0xb]  }
0x36: {  	p0 =	sne.s32 s6, s16  }
.Ltmp1:
0x37: {  	_ = 	snop;
	(pc) =	sbr.rel @!p0 .LBB2_5-.Ltmp1, $3  }
0x38: {  	_ =	sdelay $0x1  }
0x39: {  	[sflag:s15] =	ssyncset.done $0x0  }
0x3a: {  	[sflag:s15] =	ssyncadd.s32 $0xFFFFF600  }
.LBB2_1:
0x3b: {  	s9 =	rddreg [dreg:$0x5]  }
0x3c: {  	s12 =	rddreg [dreg:$0x6]  }
0x3d: {  	s4 =	simm.s32 $0x0;
	s15 =	rddreg [dreg:$0x8]  }
0x3e: {  	[tilespmem:s4], [sflag:$0x11] =	stream.linear.gather [hbm4b:s9+s4], $0x2800, $0x38;
	[tilespmem:$0x17000] =	vst v63  }
0x3f: {  	s10 =	simm.s32 $0x2800;
	s16 =	rddreg [dreg:$0x9]  }
0x40: {  	[tilespmem:s10], [sflag:$0x11] =	stream.linear.gather [hbm4b:s12+s4], $0x2800, $0x38;
	[tilespmem:$0x17000] =	vst v63  }
0x41: {  	s12 =	rddreg [dreg:$0xc]  }
0x42: {  	[spmem:s12], [sflag:s16] =	dma.local [hbm:s15], $0xA00  }
0x43: {  	s9 =	rddreg [dreg:$0x4]  }
0x44: {  	[spmem:s14], [sflag:s16] =	dma.local [hbm:s9], $0xA00  }
0x45: {  	s14 =	simm.s32 $0x11  }
0x46: {  	_ =	swait.ge [sflag:s14], $0x2800  }
0x47: {  	[sflag:s14] =	ssyncset.done $0x0  }
0x48: {  	[sflag:s14] =	ssyncadd.s32 $0xFFFFD800  }
0x49: {  	_ =	swait.ge [sflag:s14], $0x2800  }
0x4a: {  	[sflag:s14] =	ssyncset.done $0x0  }
0x4b: {  	[sflag:s14] =	ssyncadd.s32 $0xFFFFD800  }
0x4c: {  	_ =	swait.ge [sflag:s14], $0xA00  }
0x4d: {  	[sflag:s14] =	ssyncset.done $0x0  }
0x4e: {  	[sflag:s14] =	ssyncadd.s32 $0xFFFFF600  }
0x4f: {  	_ =	swait.ge [sflag:s14], $0xA00  }
0x50: {  	[sflag:s14] =	ssyncset.done $0x0  }
0x51: {  	[sflag:s14] =	ssyncadd.s32 $0xFFFFF600  }
0x52: {  	[bflag:$0x0] =	sbarrier.arrive $0xFFFF  }
0x53: {  	[tilespmem:s18], [sflag:$0x1] =	stream.indirect.gather [spmem:s2], $0x20, s4, s17, $0xb8;
	[tilespmem:$0x17000] =	vst v63  }
0x54: {  	_ = 	snop  }
0x55: {  	[tilespmem:s19], [sflag:$0x2] =	stream.indirect.gather [spmem:s2], $0x20, s17, s17, $0xb8;
	[tilespmem:$0x17000] =	vst v63  }
0x56: {  	s15 =	simm.s32 $0x100  }
0x57: {  	[tilespmem:s21], [sflag:$0x3] =	stream.indirect.gather [spmem:s2], $0x20, s15, s17, $0xb8;
	[tilespmem:$0x17000] =	vst v63  }
0x58: {  	s12 =	simm.s32 $0x0;
	s16 =	simm.s32 $0x180;
	s9 =	simm.s32 $0x380  }
0x59: {  	[tilespmem:s23], [sflag:$0x4] =	stream.indirect.gather [spmem:s2], $0x20, s16, s17, $0xb8;
	[tilespmem:$0x17000] =	vst v63  }
.LBB2_2:
0x5a: {  	_ =	swait.ge [sflag:s24], $0x1000  }
0x5b: {  	s14 =	sshra.s32 s12, $0x2;
	[sflag:s24] =	ssyncset.done $0x0  }
0x5c: {  	s4 =	sadd.s32 $0x2800, s14;
	[sflag:s24] =	ssyncadd.s32 $0xFFFFF000  }
0x5d: {  	[spmem:s3] =	stream.indirect.scatter.add.f32 [tilespmem:s18], [sflag:$0x9], $0x20, s4, s17, $0xb8;
	[tilespmem:$0x17000] =	vst v63  }
0x5e: {  	_ =	swait.ge [sflag:s25], $0x1000  }
0x5f: {  	[sflag:s25] =	ssyncset.done $0x0  }
0x60: {  	s10 =	sadd.s32 $0x2880, s14;
	[sflag:s25] =	ssyncadd.s32 $0xFFFFF000  }
0x61: {  	[spmem:s3] =	stream.indirect.scatter.add.f32 [tilespmem:s19], [sflag:$0xA], $0x20, s10, s17, $0xb8;
	[tilespmem:$0x17000] =	vst v63  }
0x62: {  	_ =	swait.ge [sflag:s26], $0x1000  }
0x63: {  	[sflag:s26] =	ssyncset.done $0x0  }
0x64: {  	s15 =	sadd.s32 $0x2900, s14;
	[sflag:s26] =	ssyncadd.s32 $0xFFFFF000  }
0x65: {  	[spmem:s3] =	stream.indirect.scatter.add.f32 [tilespmem:s21], [sflag:$0xB], $0x20, s15, s17, $0xb8;
	[tilespmem:$0x17000] =	vst v63  }
0x66: {  	_ =	swait.ge [sflag:s28], $0x1000  }
0x67: {  	p0 =	sne.s32 s12, $0x0;
	[sflag:s28] =	ssyncset.done $0x0  }
0x68: {  	s16 =	sadd.s32 $0x2980, s14;
	s4 =	simm.s32 @p0 $0xD;
	[sflag:s28] =	ssyncadd.s32 $0xFFFFF000  }
0x69: {  	[spmem:s3] =	stream.indirect.scatter.add.f32 [tilespmem:s23], [sflag:$0xC], $0x20, s16, s17, $0xb8;
	[tilespmem:$0x17000] =	vst v63  }
0x6a: {  	_ =	swait.ge @p0 [sflag:s4], $0x1000  }
0x6b: {  	[sflag:s4] =	ssyncset.done @p0 $0x0  }
0x6c: {  	[sflag:s4] =	ssyncadd.s32 @p0 $0xFFFFF000;
	s4 =	sshra.s32 @p0 s12, $0x2  }
0x6d: {  	s15 =	simm.s32 @p0 $0x80;
	s16 =	simm.s32 @p0 $0x9000;
	s10 =	sadd.s32 @p0 $0x200, s4  }
0x6e: {  	[tilespmem:s16], [sflag:$0x5] =	stream.indirect.gather @p0 [spmem:s2], $0x20, s10, s15, $0xb8;
	[tilespmem:$0x17000] =	vst v63  }
0x6f: {  	s10 =	simm.s32 @p0 $0xE  }
0x70: {  	_ =	swait.ge @p0 [sflag:s10], $0x1000  }
0x71: {  	[sflag:s10] =	ssyncset.done @p0 $0x0  }
0x72: {  	s16 =	simm.s32 @p0 $0xA000;
	[sflag:s10] =	ssyncadd.s32 @p0 $0xFFFFF000;
	s10 =	sadd.s32 @p0 $0x280, s4  }
0x73: {  	[tilespmem:s16], [sflag:$0x6] =	stream.indirect.gather @p0 [spmem:s2], $0x20, s10, s15, $0xb8;
	[tilespmem:$0x17000] =	vst v63  }
0x74: {  	s10 =	simm.s32 @p0 $0xF  }
0x75: {  	_ =	swait.ge @p0 [sflag:s10], $0x1000  }
0x76: {  	[sflag:s10] =	ssyncset.done @p0 $0x0  }
0x77: {  	s4 =	sadd.s32 @p0 $0x300, s4;
	[sflag:s10] =	ssyncadd.s32 @p0 $0xFFFFF000;
	s10 =	simm.s32 @p0 $0xB000  }
0x78: {  	[tilespmem:s10], [sflag:$0x7] =	stream.indirect.gather @p0 [spmem:s2], $0x20, s4, s15, $0xb8;
	[tilespmem:$0x17000] =	vst v63  }
0x79: {  	s4 =	simm.s32 @p0 $0x10  }
0x7a: {  	_ =	swait.ge @p0 [sflag:s4], $0x1000  }
0x7b: {  	s10 =	simm.s32 @!p0 $0x200;
	[sflag:s4] =	ssyncset.done @p0 $0x0  }
0x7c: {  	s15 =	simm.s32 @!p0 $0x9000;
	[sflag:s4] =	ssyncadd.s32 @p0 $0xFFFFF000;
	s4 =	simm.s32 @!p0 $0x80  }
0x7d: {  	[tilespmem:s15], [sflag:$0x5] =	stream.indirect.gather @!p0 [spmem:s2], $0x20, s10, s4, $0xb8;
	[tilespmem:$0x17000] =	vst v63  }
0x7e: {  	s10 =	simm.s32 @!p0 $0x280;
	s15 =	simm.s32 @!p0 $0xA000  }
0x7f: {  	[tilespmem:s15], [sflag:$0x6] =	stream.indirect.gather @!p0 [spmem:s2], $0x20, s10, s4, $0xb8;
	[tilespmem:$0x17000] =	vst v63  }
0x80: {  	s10 =	simm.s32 @!p0 $0x300;
	s15 =	simm.s32 @!p0 $0xB000  }
0x81: {  	[tilespmem:s15], [sflag:$0x7] =	stream.indirect.gather @!p0 [spmem:s2], $0x20, s10, s4, $0xb8;
	[tilespmem:$0x17000] =	vst v63  }
0x82: {  	s4 =	smov.u32 s9  }
0x83: {  	s4 =	simm.s32 @!p0 $0x380  }
0x84: {  	[tilespmem:s29], [sflag:$0x8] =	stream.indirect.gather [spmem:s2], $0x20, s4, s17, $0xb8;
	[tilespmem:$0x17000] =	vst v63  }
0x85: {  	s10 =	sadd.s32 @p0 $0xFFFFFE80, s9;
	_ =	swait.ge [sflag:s30], $0x1000  }
0x86: {  	s10 =	simm.s32 @!p0 $0x200;
	[sflag:s30] =	ssyncset.done $0x0  }
0x87: {  	s10 =	sadd.s32 $0x2800, s10;
	[sflag:s30] =	ssyncadd.s32 $0xFFFFF000  }
0x88: {  	[spmem:s3] =	stream.indirect.scatter.add.f32 [tilespmem:s31], [sflag:$0xD], $0x20, s10, s17, $0xb8;
	[tilespmem:$0x17000] =	vst v63  }
0x89: {  	s10 =	sadd.s32 @p0 $0xFFFFFF00, s9;
	_ =	swait.ge [sflag:s0], $0x1000  }
0x8a: {  	s10 =	simm.s32 @!p0 $0x280;
	[sflag:s0] =	ssyncset.done $0x0  }
0x8b: {  	s10 =	sadd.s32 $0x2800, s10;
	[sflag:s0] =	ssyncadd.s32 $0xFFFFF000  }
0x8c: {  	[spmem:s3] =	stream.indirect.scatter.add.f32 [tilespmem:s1], [sflag:$0xE], $0x20, s10, s17, $0xb8;
	[tilespmem:$0x17000] =	vst v63  }
0x8d: {  	s10 =	sadd.s32 @p0 $0xFFFFFF80, s9;
	_ =	swait.ge [sflag:s13], $0x1000  }
0x8e: {  	s10 =	simm.s32 @!p0 $0x300;
	[sflag:s13] =	ssyncset.done $0x0  }
0x8f: {  	s10 =	sadd.s32 $0x2800, s10;
	[sflag:s13] =	ssyncadd.s32 $0xFFFFF000  }
0x90: {  	[spmem:s3] =	stream.indirect.scatter.add.f32 [tilespmem:s20], [sflag:$0xF], $0x20, s10, s17, $0xb8;
	[tilespmem:$0x17000] =	vst v63  }
0x91: {  	_ =	swait.ge [sflag:s22], $0x1000  }
0x92: {  	p0 =	seq.s32 s12, $0x9000;
	[sflag:s22] =	ssyncset.done $0x0  }
.Ltmp2:
0x93: {  	s4 =	sadd.s32 $0x2800, s4;
	[sflag:s22] =	ssyncadd.s32 $0xFFFFF000;
	(pc) =	sbr.rel @p0 .LBB2_4-.Ltmp2, $4  }
0x94: {  	[spmem:s3] =	stream.indirect.scatter.add.f32 [tilespmem:s29], [sflag:$0x10], $0x20, s4, s17, $0xb8;
	[tilespmem:$0x17000] =	vst v63  }
0x95: {  	_ =	swait.ge [sflag:s5], $0x1000  }
0x96: {  	[sflag:s5] =	ssyncset.done $0x0  }
0x97: {  	[sflag:s5] =	ssyncadd.s32 $0xFFFFF000  }
0x98: {  	s4 =	sadd.s32 $0x400, s14  }
0x99: {  	[tilespmem:s18], [sflag:$0x1] =	stream.indirect.gather [spmem:s2], $0x20, s4, s17, $0xb8;
	[tilespmem:$0x17000] =	vst v63  }
0x9a: {  	_ =	swait.ge [sflag:s7], $0x1000  }
0x9b: {  	[sflag:s7] =	ssyncset.done $0x0  }
0x9c: {  	s10 =	sadd.s32 $0x480, s14;
	[sflag:s7] =	ssyncadd.s32 $0xFFFFF000  }
0x9d: {  	[tilespmem:s19], [sflag:$0x2] =	stream.indirect.gather [spmem:s2], $0x20, s10, s17, $0xb8;
	[tilespmem:$0x17000] =	vst v63  }
0x9e: {  	_ =	swait.ge [sflag:s11], $0x1000  }
0x9f: {  	[sflag:s11] =	ssyncset.done $0x0  }
0xa0: {  	s15 =	sadd.s32 $0x500, s14;
	[sflag:s11] =	ssyncadd.s32 $0xFFFFF000  }
0xa1: {  	[tilespmem:s21], [sflag:$0x3] =	stream.indirect.gather [spmem:s2], $0x20, s15, s17, $0xb8;
	[tilespmem:$0x17000] =	vst v63  }
.Ltmp3:
0xa2: {  	_ = 	snop;
	(pc) =	sbr.rel .LBB2_2-.Ltmp3, $4  }
0xa3: {  	_ =	swait.ge [sflag:s8], $0x1000  }
0xa4: {  	s16 =	sadd.s32 $0x580, s14;
	[sflag:s8] =	ssyncset.done $0x0  }
0xa5: {  	s9 =	sadd.s32 $0x400, s9;
	s12 =	sadd.s32 $0x1000, s12;
	[sflag:s8] =	ssyncadd.s32 $0xFFFFF000  }
0xa6: {  	[tilespmem:s23], [sflag:$0x4] =	stream.indirect.gather [spmem:s2], $0x20, s16, s17, $0xb8;
	[tilespmem:$0x17000] =	vst v63  }
.LBB2_5:
0xa7: {  	_ =	sfence.sel $0x180000  }
0xa8: {  	[bflag:$0x0] =	sbarrier.arrive $0xFFFF  }
0xa9: {  	_ =	strace $0x9000004A  }
0xaa: {  	s0 =	stileid.u32;
	[bflag:$0x2] =	sbarrier.arrive $0xFFFF  }
0xab: {  	p0 =	sne.s32 s0, $0x0;
	s0 =	rddreg [dreg:$0x3]  }
0xac: {  	s0 =	sadd.s32 @!p0 $0x100000, s0  }
0xad: {  	[sflag:s0] =	ssyncadd.tile.s32 @!p0 $0x1;
	_ =	shalt  }
.Lfunc_end2:
_tile_overlayer_lowered:
.L_overlay_start_2:
0xae: {  	(tag) =	ssettag $0x2  }
0xaf: {  	s0 =	rddreg [dreg:$0x0];
	s2 =	stileid.u32  }
0xb0: {  	s1 =	rddreg [dreg:$0x1];
	p0 =	sne.s32 s2, $0x0  }
0xb1: {  	s3 =	rddreg [dreg:$0x2];
	[bflag:$0x3] =	sbarrier.arrive $0xFFFF;
	s2 =	simm.s32 @!p0 $0x1C12  }
0xb2: {  	[timem:s3], [sflag:s2] =	dma.local @!p0 [hbm:s0], s1  }
0xb3: {  	s0 =	simm.s32 @!p0 $0x12  }
0xb4: {  	_ =	swait.ge @!p0 [sflag:s0], s1  }
0xb5: {  	s1 =	ssub.s32 @!p0 $0x0, s1;
	[sflag:s0] =	ssyncset.done @!p0 $0x0  }
0xb6: {  	[sflag:s0] =	ssyncadd.s32 @!p0 s1  }
0xb7: {  	[bflag:$0x3] =	sbarrier.arrive $0xFFFF  }
0xb8: {  	_ =	shalt  }

// kernel: kernel.14.cloned.1.call-start
scs
__scs_entry_jumppad:
0x0: {  	(pc) =	sbr.rel $0x88, $3  }
0x1: {  	(tag) =	ssettag $0x0;
	lr =	simm.s32 $0x1  }
0x2: {  	[smem:$0x3F9B] =	sst lr;
	_ =	strace $0xD0000000  }
0x3: {  	_ = 	snop  }
0x4: {  	_ = 	snop  }
0x5: {  	_ = 	snop  }
0x6: {  	_ = 	snop  }
0x7: {  	_ = 	snop  }
__scs_overlays_trampoline_lowered:
0x8: {  	[smem:$0x3FAA] =	sst s0  }
0x9: {  	[smem:$0x3FAB] =	sst s1  }
0xa: {  	[smem:$0x3FAC] =	sst s2  }
0xb: {  	[smem:$0x3FAD] =	sst s3  }
0xc: {  	[smem:$0x3FAE] =	sst s4  }
0xd: {  	[smem:$0x3FAF] =	sst s5  }
0xe: {  	[smem:$0x3FB0] =	sst s6  }
0xf: {  	[smem:$0x3FB1] =	sst s7  }
0x10: {  	[smem:$0x3FB2] =	sst s8  }
0x11: {  	[smem:$0x3FB3] =	sst s9;
	s0 =	simm.s32 @!p0 $0x0  }
0x12: {  	s1 =	sld [smem:$0x3F99];
	s0 =	simm.s32 @p0 $0x1  }
0x13: {  	[smem:$0x3FB4] =	sst s0;
	s0 =	simm.s32 @!p1 $0x0  }
0x14: {  	s2 =	sld [smem:$0x3F98];
	s0 =	simm.s32 @p1 $0x1  }
0x15: {  	[smem:$0x3FB5] =	sst s0;
	s0 =	simm.s32 @!p2 $0x0  }
0x16: {  	s3 =	sld [smem:$0x3FDB];
	s0 =	simm.s32 @p2 $0x1  }
0x17: {  	s4 =	simm.s32 $0x1BF5;
	[smem:$0x3FB7] =	sst s0  }
0x18: {  	s0 =	sld [smem:$0x3F9A];
	_ =	swait.ge [sflag:s4], $0x0  }
0x19: {  	s7 =	sld [smem:$0x3F9B]  }
0x1a: {  	s8 =	sadd.s32 $0xFFFFE003, lr  }
0x1b: {  	s9 =	sadd.s32 $0xFFFFFEF7, lr;
	s5 =	simm.s32 $0xFFFFFFFF;
	p2 =	slt.u32 s8, $0xFFFFF086  }
0x1c: {  	p1 =	slt.u32 s9, $0xF7A;
	s5 =	simm.s32 @!p2 $0x0  }
0x1d: {  	s5 =	simm.s32 @p1 $0x1;
	p0 =	seq.s32 s7, s2  }
0x1e: {  	s7 =	smul.u32 @!p0 $0xF7A, s2;
	p2 =	seq.s32 @!p0 s5, $0x0  }
0x1f: {  	s9 =	smul.u32 $0xF7A, s1;
	s8 =	simm.s32 @!p0 $0x1BF5;
	p2 =	por !p2, p0  }
0x20: {  	[sflag:s8] =	ssyncset.s32 @!p0 $0xFFFFF086;
	s6 =	sadd.s32 @!p0 s3, s7;
	s7 =	simm.s32 @!p0 $0x108  }
0x21: {  	s3 =	sadd.s32 s3, s9;
	s6 =	sadd.s32 @!p0 $0x88, s6;
	s7 =	simm.s32 @p2 $0x1082  }
0x22: {  	[simem:s7], [sflag:s8] =	dma.local @!p0 [hbm:s6], $0xF7A  }
0x23: {  	s9 =	sor.u32 $0xD0000000, s2;
	s6 =	simm.s32 $0x108;
	_ =	swait.ge @!p0 [sflag:s8], $0x0  }
0x24: {  	s3 =	sadd.s32 $0x88, s3;
	s6 =	simm.s32 @!p1 $0x1082;
	[sflag:s4] =	ssyncset.s32 $0xFFFFF086  }
0x25: {  	[simem:s6], [sflag:s4] =	dma.local [hbm:s3], $0xF7A  }
0x26: {  	[smem:$0x3F9B] =	sst s1;
	(tag) =	ssettag s2;
	_ =	strace s9  }
0x27: {  	s1 =	sld [smem:$0x3FAB]  }
0x28: {  	s2 =	sld [smem:$0x3FAC]  }
0x29: {  	s4 =	sld [smem:$0x3FAE]  }
0x2a: {  	p0 =	seq.s32 s5, $0x0;
	s5 =	sld [smem:$0x3FAF]  }
0x2b: {  	s6 =	sld [smem:$0x3FB0]  }
0x2c: {  	s7 =	sld [smem:$0x3FB1]  }
0x2d: {  	s3 =	simm.s32 $0x108;
	s8 =	sld [smem:$0x3FB2]  }
0x2e: {  	s3 =	simm.s32 @!p0 $0x1082;
	s9 =	sld [smem:$0x3FB3]  }
0x2f: {  	lr =	sadd.s32 s0, s3;
	s0 =	sld [smem:$0x3FAA]  }
0x30: {  	s3 =	sld [smem:$0x3FAD]  }
0x31: {  	[smem:$0x3FB6] =	sst s10  }
0x32: {  	s10 =	sld [smem:$0x3FB4];
	_ =	sdelay $0x3  }
0x33: {  	p0 =	seq.s32 s10, $0x1;
	s10 =	sld [smem:$0x3FB6];
	_ =	sdelay $0x3  }
0x34: {  	[smem:$0x3FB6] =	sst s10  }
0x35: {  	s10 =	sld [smem:$0x3FB5];
	_ =	sdelay $0x3  }
0x36: {  	p1 =	seq.s32 s10, $0x1;
	s10 =	sld [smem:$0x3FB6];
	_ =	sdelay $0x3  }
0x37: {  	[smem:$0x3FB6] =	sst s10  }
0x38: {  	s10 =	sld [smem:$0x3FB7]  }
0x39: {  	_ = 	snop;
	(pc) =	sbr.ind lr, $3  }
0x3a: {  	_ = 	snop  }
0x3b: {  	_ = 	snop  }
0x3c: {  	p2 =	seq.s32 s10, $0x1;
	s10 =	sld [smem:$0x3FB6]  }
0x3d: {  	_ =	shalt  }
0x3e: {  	_ =	shalt  }
0x3f: {  	_ =	shalt  }
0x40: {  	_ =	shalt  }
0x41: {  	_ =	shalt  }
0x42: {  	_ =	shalt  }
0x43: {  	_ =	shalt  }
0x44: {  	_ =	shalt  }
0x45: {  	_ =	shalt  }
0x46: {  	_ =	shalt  }
0x47: {  	_ =	shalt  }
0x48: {  	_ =	shalt  }
0x49: {  	_ =	shalt  }
0x4a: {  	_ =	shalt  }
0x4b: {  	_ =	shalt  }
0x4c: {  	_ =	shalt  }
0x4d: {  	_ =	shalt  }
0x4e: {  	_ =	shalt  }
0x4f: {  	_ =	shalt  }
0x50: {  	_ =	shalt  }
0x51: {  	_ =	shalt  }
0x52: {  	_ =	shalt  }
0x53: {  	_ =	shalt  }
0x54: {  	_ =	shalt  }
0x55: {  	_ =	shalt  }
0x56: {  	_ =	shalt  }
0x57: {  	_ =	shalt  }
0x58: {  	_ =	shalt  }
0x59: {  	_ =	shalt  }
0x5a: {  	_ =	shalt  }
0x5b: {  	_ =	shalt  }
0x5c: {  	_ =	shalt  }
0x5d: {  	_ =	shalt  }
0x5e: {  	_ =	shalt  }
0x5f: {  	_ =	shalt  }
0x60: {  	_ =	shalt  }
0x61: {  	_ =	shalt  }
0x62: {  	_ =	shalt  }
0x63: {  	_ =	shalt  }
0x64: {  	_ =	shalt  }
0x65: {  	_ =	shalt  }
0x66: {  	_ =	shalt  }
0x67: {  	_ =	shalt  }
0x68: {  	_ =	shalt  }
0x69: {  	_ =	shalt  }
0x6a: {  	_ =	shalt  }
0x6b: {  	_ =	shalt  }
0x6c: {  	_ =	shalt  }
0x6d: {  	_ =	shalt  }
0x6e: {  	_ =	shalt  }
0x6f: {  	_ =	shalt  }
0x70: {  	_ =	shalt  }
0x71: {  	_ =	shalt  }
0x72: {  	_ =	shalt  }
0x73: {  	_ =	shalt  }
0x74: {  	_ =	shalt  }
0x75: {  	_ =	shalt  }
0x76: {  	_ =	shalt  }
0x77: {  	_ =	shalt  }
0x78: {  	_ =	shalt  }
0x79: {  	_ =	shalt  }
0x7a: {  	_ =	shalt  }
0x7b: {  	_ =	shalt  }
0x7c: {  	_ =	shalt  }
0x7d: {  	_ =	shalt  }
0x7e: {  	_ =	shalt  }
0x7f: {  	_ =	shalt  }
0x80: {  	_ =	shalt  }
0x81: {  	_ =	shalt  }
0x82: {  	_ =	shalt  }
0x83: {  	_ =	shalt  }
0x84: {  	_ =	shalt  }
0x85: {  	_ =	shalt  }
0x86: {  	_ =	shalt  }
0x87: {  	_ =	shalt  }
.Lfunc_end0:
.L_simem_size_0:
called_computation.2_lowered:
.L_overlay_start_0:
0x88: {  	s2 =	sld [smem:$0x3FD9]  }
0x89: {  	s3 =	sld [smem:$0x3FFE];
	_ =	sdelay $0x1  }
0x8a: {  	s1 =	srdreg.scid  }
0x8b: {  	s0 =	sand.u32 $0x1, s1  }
0x8c: {  	s16 =	sshll.u32 s0, $0xA;
	s2 =	sadd.s32 s3, s2  }
0x8d: {  	s2 =	sadd.s32 s2, s16  }
0x8e: {  	[smem:$0x3FC2] =	sst s2  }
0x8f: {  	_ = 	snop  }
0x90: {  	(tm) =	ssettm $0x1  }
0x91: {  	s17 =	sld [smem:$0x3FFB];
	_ =	sdelay $0x3  }
0x92: {  	_ =	strace s17  }
0x93: {  	s2 =	sld [smem:$0x3FFC];
	_ =	sdelay $0x3  }
0x94: {  	_ =	strace s2  }
0x95: {  	s2 =	sld [smem:$0x3FFD];
	_ =	sdelay $0x3  }
0x96: {  	_ =	strace s2  }
0x97: {  	_ =	strace $0x8FFFFFFF  }
0x98: {  	s18 =	sld [smem:$0x3FDB];
	_ =	sdelay $0x1  }
0x99: {  	s19 =	simm.s32 $_scs_section_size  }
0x9a: {  	s4 =	simm.s32 $_size__tile_overlayer_lowered;
	s5 =	simm.s32 $_tile_overlayer_lowered  }
0x9b: {  	s22 =	simm.s32 $0x1BFF;
	s21 =	sshll.u32 s5, $0x1;
	s2 =	sadd.s32 s19, s18  }
0x9c: {  	s6 =	simm.s32 $0x0;
	s20 =	sshll.u32 s4, $0x1;
	s4 =	sadd.s32 s21, s2  }
0x9d: {  	[timem:s6], [sflag:s22] =	dma.local [hbm:s4], s20  }
0x9e: {  	_ =	swait.ge [sflag:s22], s20  }
0x9f: {  	s3 =	ssub.s32 $0x0, s20;
	[sflag:s22] =	ssyncset.done $0x0  }
0xa0: {  	[sflag:s22] =	ssyncadd.s32 s3;
	_ =	sdelay $0x1  }
0xa1: {  	s23 =	simm.s32 $0x1B8B  }
0xa2: {  	_ =	swait.ge [sflag:s23], $0x1  }
0xa3: {  	[sflag:s23] =	ssyncset.done $0x0  }
0xa4: {  	s25 =	simm.s32 $0x1B8E;
	s24 =	sld [smem:$0x3FFE];
	[sflag:s23] =	ssyncadd.s32 $0xFFFFFFFF  }
0xa5: {  	s26 =	simm.s32 $execute0_lowered;
	[smem:$0x3FD2] =	sst s25  }
0xa6: {  	s4 =	sshll.u32 s26, $0x1;
	_ =	strace $0x8000004C;
	[dreg:$0x1] =	wrdreg $0xFFFFFFFF  }
0xa7: {  	s28 =	simm.s32 $_size_execute0_lowered;
	s2 =	sadd.s32 s2, s4;
	[dreg:$0x0] =	wrdreg $0x0  }
0xa8: {  	s4 =	sshll.u32 s28, $0x1;
	[dreg:$0x2] =	wrdreg s2  }
0xa9: {  	[dreg:$0x3] =	wrdreg s4  }
0xaa: {  	[dreg:$0x4] =	wrdreg $0xC0  }
0xab: {  	_ =	task [dreg:s6], $0x5FFFF  }
0xac: {  	[dreg:$0x1] =	wrdreg $0xFFFFFFFF  }
0xad: {  	[dreg:$0x0] =	wrdreg $0x60  }
0xae: {  	[dreg:$0x2] =	wrdreg s24  }
0xaf: {  	[dreg:$0x3] =	wrdreg $0x9  }
0xb0: {  	_ =	task.clear_ibuf [dreg:s6], $0x4FFFF;
	_ =	strace $0x9000004C  }
0xb1: {  	s29 =	simm.s32 $0x9;
	_ =	strace $0x8000004E  }
0xb2: {  	_ =	swait.ge [sflag:s29], $0x1  }
0xb3: {  	[sflag:s29] =	ssyncadd.s32 $0xFFFFFFFF  }
0xb4: {  	_ =	strace $0x9000004E  }
0xb5: {  	_ =	sfence  }
0xb6: {  	s30 =	sld [smem:$0x0];
	_ =	sdelay $0x2  }
0xb7: {  	s31 =	sshll.u32 s1, $0xD;
	s1 =	sshrl.u32 s1, $0x2  }
0xb8: {  	s3 =	sand.u32 $0x4000, s31;
	s1 =	sadd.s32 s1, s30  }
0xb9: {  	s0 =	sor.u32 s3, s0;
	s1 =	sshll.u32 s1, $0x11  }
0xba: {  	s0 =	sor.u32 s1, s0  }
0xbb: {  	s0 =	sadd.s32 $0x8F2B, s0  }
0xbc: {  	[sflag:s0] =	ssyncadd.remote.s32 $0x1  }
0xbd: {  	_ =	sfence.sel $0xFFFF  }
0xbe: {  	[dreg:$0x0] =	wrdreg $0xFFFFFFFF;
	(pc) =	sbr.abs _section_cstart, $3  }
0xbf: {  	[dreg:$0x1] =	wrdreg $0xFFFFFFFF  }
0xc0: {  	_ =	task.clear_ibuf [dreg:s6], $0x2FFFF;
	_ =	strace $0x9FFFFFFF  }
0xc1: {  	(tm) =	ssettm $0x7FFFFFFF  }
tec
execute0_lowered:
.L_overlay_start_1:
0x0: {  	(tag) =	ssettag $0x1  }
0x1: {  	s1 =	srdreg.scid  }
0x2: {  	s0 =	stileid.u32;
	s6 =	rddreg [dreg:$0x0];
	s2 =	simm.s32 $0x0  }
0x3: {  	s11 =	simm.s32 $0x80;
	s12 =	simm.s32 $0x100;
	s13 =	simm.s32 $0x5000  }
0x4: {  	s14 =	simm.s32 $0x7800;
	s15 =	simm.s32 $0x1;
	s16 =	simm.s32 $0xA000  }
0x5: {  	s17 =	simm.s32 $0xC800;
	s3 =	sand.u32 $0x1, s1;
	s4 =	sshll.u32 s0, $0x1  }
0x6: {  	s18 =	simm.s32 $0x2;
	s19 =	simm.s32 $0x0;
	s4 =	sor.u32 s3, s4  }
0x7: {  	s1 =	rddreg [dreg:$0x1];
	s7 =	ssub.s32 $0x2, s3;
	s5 =	smul.u32 $0x500, s4  }
0x8: {  	[smem:$0x7FF] =	sst s2;
	s4 =	smul.u32 $0xA00, s4;
	s8 =	sshrl.u32 s7, $0x1  }
0x9: {  	_ =	strace $0x8000004D;
	s3 =	sadd.s32 $0xB800, s6;
	s10 =	ssub.s32 s7, s8  }
0xa: {  	s5 =	sadd.s32 s5, s6;
	s9 =	sadd.s32 s4, s6;
	s6 =	sadd.s32 $0xB810, s6  }
0xb: {  	s4 =	sadd.s32 $0x15800, s5;
	s5 =	sadd.s32 $0x1800, s5;
	s7 =	sadd.s32 $0x1F800, s9  }
0xc: {  	v0 =	vimm.f32 $0.0e+00;
	s8 =	sadd.s32 $0x1F810, s9;
	s9 =	smax.u32 s10, $0x1;
	s10 =	simm.s32 $0x2800  }
.LBB2_1:
0xd: {  	[tilespmem:s2], [sflag:$0x1] =	stream.linear.gather [hbm4b:s4+s2], $0x2800, $0x38;
	[tilespmem:$0xF000] =	vst v63  }
0xe: {  	_ = 	snop  }
0xf: {  	[tilespmem:s10], [sflag:$0x1] =	stream.linear.gather [hbm4b:s5+s2], $0x2800, $0x38;
	[tilespmem:$0xF000] =	vst v63  }
0x10: {  	_ = 	snop  }
0x11: {  	[tilespmem:s13], [sflag:$0x1] =	stream.strided.gather [hbm4b:s3+s11], $0x2800, s12, s11, $0x38;
	[tilespmem:$0xF000] =	vst v63  }
0x12: {  	_ = 	snop  }
0x13: {  	[tilespmem:s14], [sflag:$0x1] =	stream.strided.gather [hbm4b:s6+s11], $0x2800, s12, s11, $0x38;
	[tilespmem:$0xF000] =	vst v63  }
0x14: {  	_ =	swait.ge [sflag:s15], $0x2800  }
0x15: {  	[sflag:s15] =	ssyncset.done $0x0  }
0x16: {  	[sflag:s15] =	ssyncadd.s32 $0xFFFFD800  }
0x17: {  	_ =	swait.ge [sflag:s15], $0x2800  }
0x18: {  	[sflag:s15] =	ssyncset.done $0x0  }
0x19: {  	[sflag:s15] =	ssyncadd.s32 $0xFFFFD800  }
0x1a: {  	_ =	swait.ge [sflag:s15], $0x2800  }
0x1b: {  	[sflag:s15] =	ssyncset.done $0x0  }
0x1c: {  	[sflag:s15] =	ssyncadd.s32 $0xFFFFD800  }
0x1d: {  	_ =	swait.ge [sflag:s15], $0x2800  }
0x1e: {  	[sflag:s15] =	ssyncset.done $0x0  }
0x1f: {  	s20 =	simm.s32 $0x0;
	s21 =	simm.s32 $0x100;
	[sflag:s15] =	ssyncadd.s32 $0xFFFFD800  }
.LBB2_2:
0x20: {  	p0 =	sne.s32 s21, $0x9F00;
	[tilespmem:s20+$0xC830] =	vst v0  }
0x21: {  	[tilespmem:s20+$0xA000] =	vst v0  }
0x22: {  	[tilespmem:s20+$0xC800] =	vst v0  }
.Ltmp0:
0x23: {  	[tilespmem:s20+$0xA010] =	vst v0;
	(pc) =	sbr.rel @p0 .LBB2_2-.Ltmp0, $4  }
0x24: {  	[tilespmem:s20+$0xC810] =	vst v0  }
0x25: {  	[tilespmem:s20+$0xA020] =	vst v0  }
0x26: {  	[tilespmem:s20+$0xC820] =	vst v0  }
0x27: {  	[tilespmem:s20+$0xA030] =	vst v0;
	s20 =	sshra.s32 s21, $0x2;
	s21 =	sadd.s32 $0x100, s21  }
0x28: {  	[tilespmem:s20+$0xC830] =	vst v0  }
0x29: {  	[tilespmem:s20+$0xA000] =	vst v0  }
0x2a: {  	[tilespmem:s20+$0xC800] =	vst v0  }
0x2b: {  	[tilespmem:s20+$0xA010] =	vst v0  }
0x2c: {  	[tilespmem:s20+$0xC810] =	vst v0  }
0x2d: {  	[tilespmem:s20+$0xA020] =	vst v0  }
0x2e: {  	[tilespmem:s20+$0xC820] =	vst v0  }
0x2f: {  	[tilespmem:s20+$0xA030] =	vst v0;
	s20 =	simm.s32 $0x0  }
.LBB2_4:
0x30: {  	s21 =	sshra.s32 s20, $0x2  }
0x31: {  	v1 =	vld [tilespmem:s21+$0x0];
	_ =	sdelay $0x4  }
0x32: {  	v2 =	vld [tilespmem:s21+$0x2800];
	_ =	sdelay $0x2  }
0x33: {  	v3 =	vld.idx.msk [tilespmem:v1+s13+$0x0], $0xffff;
	_ =	sdelay $0x4  }
0x34: {  	[tilespmem:v2+s16+$0x0] =	vst.idx.add.f32.msk $0xffff, v3  }
0x35: {  	v1 =	vld.idx.msk [tilespmem:v1+s14+$0x0], $0xffff;
	_ =	sdelay $0x4  }
0x36: {  	[tilespmem:v2+s17+$0x0] =	vst.idx.add.f32.msk $0xffff, v1  }
0x37: {  	v1 =	vld [tilespmem:s21+$0x10];
	_ =	sdelay $0x4  }
0x38: {  	v2 =	vld [tilespmem:s21+$0x2810];
	_ =	sdelay $0x2  }
0x39: {  	v3 =	vld.idx.msk [tilespmem:v1+s13+$0x0], $0xffff;
	_ =	sdelay $0x4  }
0x3a: {  	[tilespmem:v2+s16+$0x0] =	vst.idx.add.f32.msk $0xffff, v3  }
0x3b: {  	v1 =	vld.idx.msk [tilespmem:v1+s14+$0x0], $0xffff;
	_ =	sdelay $0x4  }
0x3c: {  	[tilespmem:v2+s17+$0x0] =	vst.idx.add.f32.msk $0xffff, v1  }
0x3d: {  	v1 =	vld [tilespmem:s21+$0x20];
	_ =	sdelay $0x4  }
0x3e: {  	v2 =	vld [tilespmem:s21+$0x2820];
	_ =	sdelay $0x2  }
0x3f: {  	v3 =	vld.idx.msk [tilespmem:v1+s13+$0x0], $0xffff;
	_ =	sdelay $0x4  }
0x40: {  	[tilespmem:v2+s16+$0x0] =	vst.idx.add.f32.msk $0xffff, v3  }
0x41: {  	v1 =	vld.idx.msk [tilespmem:v1+s14+$0x0], $0xffff;
	_ =	sdelay $0x4  }
0x42: {  	[tilespmem:v2+s17+$0x0] =	vst.idx.add.f32.msk $0xffff, v1  }
0x43: {  	v1 =	vld [tilespmem:s21+$0x30];
	_ =	sdelay $0x4  }
0x44: {  	v2 =	vld [tilespmem:s21+$0x2830];
	_ =	sdelay $0x2  }
0x45: {  	v3 =	vld.idx.msk [tilespmem:v1+s13+$0x0], $0xffff;
	_ =	sdelay $0x4  }
0x46: {  	[tilespmem:v2+s16+$0x0] =	vst.idx.add.f32.msk $0xffff, v3  }
0x47: {  	p0 =	sne.s32 s20, $0x9F00;
	v1 =	vld.idx.msk [tilespmem:v1+s14+$0x0], $0xffff  }
.Ltmp1:
0x48: {  	_ = 	snop;
	(pc) =	sbr.rel @p0 .LBB2_4-.Ltmp1, $2  }
0x49: {  	_ =	sdelay $0x2  }
0x4a: {  	s20 =	sadd.s32 $0x100, s20;
	[tilespmem:v2+s17+$0x0] =	vst.idx.add.f32.msk $0xffff, v1  }
0x4b: {  	[hbm4b:s7+s11] =	stream.strided.scatter [tilespmem:s16], [sflag:$0x2], $0x2800, s12, s11, $0x38;
	[tilespmem:$0xF000] =	vst v63  }
0x4c: {  	s19 =	sadd.s32 $0x1, s19;
	_ =	swait.ge [sflag:s18], $0x2800  }
0x4d: {  	p0 =	sne.s32 s19, s9;
	[sflag:s18] =	ssyncset.done $0x0  }
.Ltmp2:
0x4e: {  	[sflag:s18] =	ssyncadd.s32 $0xFFFFD800;
	(pc) =	sbr.rel @p0 .LBB2_1-.Ltmp2, $4  }
0x4f: {  	[hbm4b:s8+s11] =	stream.strided.scatter [tilespmem:s17], [sflag:$0x2], $0x2800, s12, s11, $0x38;
	[tilespmem:$0xF000] =	vst v63  }
0x50: {  	_ =	swait.ge [sflag:s18], $0x2800  }
0x51: {  	[sflag:s18] =	ssyncset.done $0x0  }
0x52: {  	[sflag:s18] =	ssyncadd.s32 $0xFFFFD800  }
0x53: {  	_ =	sfence.sel $0x180000  }
0x54: {  	[bflag:$0x0] =	sbarrier.arrive $0xFFFF  }
0x55: {  	p0 =	sne.s32 s0, $0x0;
	_ =	strace $0x9000004D  }
0x56: {  	s0 =	sadd.s32 @!p0 $0x100000, s1;
	[bflag:$0x2] =	sbarrier.arrive $0xFFFF  }
0x57: {  	[sflag:s0] =	ssyncadd.tile.s32 @!p0 $0x1;
	_ =	shalt  }
.Lfunc_end2:
_tile_overlayer_lowered:
.L_overlay_start_2:
0x58: {  	(tag) =	ssettag $0x2  }
0x59: {  	s0 =	rddreg [dreg:$0x0];
	s2 =	stileid.u32  }
0x5a: {  	s1 =	rddreg [dreg:$0x1];
	p0 =	sne.s32 s2, $0x0  }
0x5b: {  	s3 =	rddreg [dreg:$0x2];
	[bflag:$0x3] =	sbarrier.arrive $0xFFFF;
	s2 =	simm.s32 @!p0 $0x1C02  }
0x5c: {  	[timem:s3], [sflag:s2] =	dma.local @!p0 [hbm:s0], s1  }
0x5d: {  	s0 =	simm.s32 @!p0 $0x2  }
0x5e: {  	_ =	swait.ge @!p0 [sflag:s0], s1  }
0x5f: {  	s1 =	ssub.s32 @!p0 $0x0, s1;
	[sflag:s0] =	ssyncset.done @!p0 $0x0  }
0x60: {  	[sflag:s0] =	ssyncadd.s32 @!p0 s1  }
0x61: {  	[bflag:$0x3] =	sbarrier.arrive $0xFFFF  }
0x62: {  	_ =	shalt  }

// kernel: kernel.8.cloned.1.call-start
scs
__scs_entry_jumppad:
0x0: {  	(pc) =	sbr.rel $0x88, $3  }
0x1: {  	(tag) =	ssettag $0x0;
	lr =	simm.s32 $0x1  }
0x2: {  	[smem:$0x3F9B] =	sst lr;
	_ =	strace $0xD0000000  }
0x3: {  	_ = 	snop  }
0x4: {  	_ = 	snop  }
0x5: {  	_ = 	snop  }
0x6: {  	_ = 	snop  }
0x7: {  	_ = 	snop  }
__scs_overlays_trampoline_lowered:
0x8: {  	[smem:$0x3FAA] =	sst s0  }
0x9: {  	[smem:$0x3FAB] =	sst s1  }
0xa: {  	[smem:$0x3FAC] =	sst s2  }
0xb: {  	[smem:$0x3FAD] =	sst s3  }
0xc: {  	[smem:$0x3FAE] =	sst s4  }
0xd: {  	[smem:$0x3FAF] =	sst s5  }
0xe: {  	[smem:$0x3FB0] =	sst s6  }
0xf: {  	[smem:$0x3FB1] =	sst s7  }
0x10: {  	[smem:$0x3FB2] =	sst s8  }
0x11: {  	[smem:$0x3FB3] =	sst s9;
	s0 =	simm.s32 @!p0 $0x0  }
0x12: {  	s1 =	sld [smem:$0x3F99];
	s0 =	simm.s32 @p0 $0x1  }
0x13: {  	[smem:$0x3FB4] =	sst s0;
	s0 =	simm.s32 @!p1 $0x0  }
0x14: {  	s2 =	sld [smem:$0x3F98];
	s0 =	simm.s32 @p1 $0x1  }
0x15: {  	[smem:$0x3FB5] =	sst s0;
	s0 =	simm.s32 @!p2 $0x0  }
0x16: {  	s3 =	sld [smem:$0x3FDB];
	s0 =	simm.s32 @p2 $0x1  }
0x17: {  	s4 =	simm.s32 $0x1BF5;
	[smem:$0x3FB7] =	sst s0  }
0x18: {  	s0 =	sld [smem:$0x3F9A];
	_ =	swait.ge [sflag:s4], $0x0  }
0x19: {  	s7 =	sld [smem:$0x3F9B]  }
0x1a: {  	s8 =	sadd.s32 $0xFFFFE003, lr  }
0x1b: {  	s9 =	sadd.s32 $0xFFFFFEF7, lr;
	s5 =	simm.s32 $0xFFFFFFFF;
	p2 =	slt.u32 s8, $0xFFFFF086  }
0x1c: {  	p1 =	slt.u32 s9, $0xF7A;
	s5 =	simm.s32 @!p2 $0x0  }
0x1d: {  	s5 =	simm.s32 @p1 $0x1;
	p0 =	seq.s32 s7, s2  }
0x1e: {  	s7 =	smul.u32 @!p0 $0xF7A, s2;
	p2 =	seq.s32 @!p0 s5, $0x0  }
0x1f: {  	s9 =	smul.u32 $0xF7A, s1;
	s8 =	simm.s32 @!p0 $0x1BF5;
	p2 =	por !p2, p0  }
0x20: {  	[sflag:s8] =	ssyncset.s32 @!p0 $0xFFFFF086;
	s6 =	sadd.s32 @!p0 s3, s7;
	s7 =	simm.s32 @!p0 $0x108  }
0x21: {  	s3 =	sadd.s32 s3, s9;
	s6 =	sadd.s32 @!p0 $0x88, s6;
	s7 =	simm.s32 @p2 $0x1082  }
0x22: {  	[simem:s7], [sflag:s8] =	dma.local @!p0 [hbm:s6], $0xF7A  }
0x23: {  	s9 =	sor.u32 $0xD0000000, s2;
	s6 =	simm.s32 $0x108;
	_ =	swait.ge @!p0 [sflag:s8], $0x0  }
0x24: {  	s3 =	sadd.s32 $0x88, s3;
	s6 =	simm.s32 @!p1 $0x1082;
	[sflag:s4] =	ssyncset.s32 $0xFFFFF086  }
0x25: {  	[simem:s6], [sflag:s4] =	dma.local [hbm:s3], $0xF7A  }
0x26: {  	[smem:$0x3F9B] =	sst s1;
	(tag) =	ssettag s2;
	_ =	strace s9  }
0x27: {  	s1 =	sld [smem:$0x3FAB]  }
0x28: {  	s2 =	sld [smem:$0x3FAC]  }
0x29: {  	s4 =	sld [smem:$0x3FAE]  }
0x2a: {  	p0 =	seq.s32 s5, $0x0;
	s5 =	sld [smem:$0x3FAF]  }
0x2b: {  	s6 =	sld [smem:$0x3FB0]  }
0x2c: {  	s7 =	sld [smem:$0x3FB1]  }
0x2d: {  	s3 =	simm.s32 $0x108;
	s8 =	sld [smem:$0x3FB2]  }
0x2e: {  	s3 =	simm.s32 @!p0 $0x1082;
	s9 =	sld [smem:$0x3FB3]  }
0x2f: {  	lr =	sadd.s32 s0, s3;
	s0 =	sld [smem:$0x3FAA]  }
0x30: {  	s3 =	sld [smem:$0x3FAD]  }
0x31: {  	[smem:$0x3FB6] =	sst s10  }
0x32: {  	s10 =	sld [smem:$0x3FB4];
	_ =	sdelay $0x3  }
0x33: {  	p0 =	seq.s32 s10, $0x1;
	s10 =	sld [smem:$0x3FB6];
	_ =	sdelay $0x3  }
0x34: {  	[smem:$0x3FB6] =	sst s10  }
0x35: {  	s10 =	sld [smem:$0x3FB5];
	_ =	sdelay $0x3  }
0x36: {  	p1 =	seq.s32 s10, $0x1;
	s10 =	sld [smem:$0x3FB6];
	_ =	sdelay $0x3  }
0x37: {  	[smem:$0x3FB6] =	sst s10  }
0x38: {  	s10 =	sld [smem:$0x3FB7]  }
0x39: {  	_ = 	snop;
	(pc) =	sbr.ind lr, $3  }
0x3a: {  	_ = 	snop  }
0x3b: {  	_ = 	snop  }
0x3c: {  	p2 =	seq.s32 s10, $0x1;
	s10 =	sld [smem:$0x3FB6]  }
0x3d: {  	_ =	shalt  }
0x3e: {  	_ =	shalt  }
0x3f: {  	_ =	shalt  }
0x40: {  	_ =	shalt  }
0x41: {  	_ =	shalt  }
0x42: {  	_ =	shalt  }
0x43: {  	_ =	shalt  }
0x44: {  	_ =	shalt  }
0x45: {  	_ =	shalt  }
0x46: {  	_ =	shalt  }
0x47: {  	_ =	shalt  }
0x48: {  	_ =	shalt  }
0x49: {  	_ =	shalt  }
0x4a: {  	_ =	shalt  }
0x4b: {  	_ =	shalt  }
0x4c: {  	_ =	shalt  }
0x4d: {  	_ =	shalt  }
0x4e: {  	_ =	shalt  }
0x4f: {  	_ =	shalt  }
0x50: {  	_ =	shalt  }
0x51: {  	_ =	shalt  }
0x52: {  	_ =	shalt  }
0x53: {  	_ =	shalt  }
0x54: {  	_ =	shalt  }
0x55: {  	_ =	shalt  }
0x56: {  	_ =	shalt  }
0x57: {  	_ =	shalt  }
0x58: {  	_ =	shalt  }
0x59: {  	_ =	shalt  }
0x5a: {  	_ =	shalt  }
0x5b: {  	_ =	shalt  }
0x5c: {  	_ =	shalt  }
0x5d: {  	_ =	shalt  }
0x5e: {  	_ =	shalt  }
0x5f: {  	_ =	shalt  }
0x60: {  	_ =	shalt  }
0x61: {  	_ =	shalt  }
0x62: {  	_ =	shalt  }
0x63: {  	_ =	shalt  }
0x64: {  	_ =	shalt  }
0x65: {  	_ =	shalt  }
0x66: {  	_ =	shalt  }
0x67: {  	_ =	shalt  }
0x68: {  	_ =	shalt  }
0x69: {  	_ =	shalt  }
0x6a: {  	_ =	shalt  }
0x6b: {  	_ =	shalt  }
0x6c: {  	_ =	shalt  }
0x6d: {  	_ =	shalt  }
0x6e: {  	_ =	shalt  }
0x6f: {  	_ =	shalt  }
0x70: {  	_ =	shalt  }
0x71: {  	_ =	shalt  }
0x72: {  	_ =	shalt  }
0x73: {  	_ =	shalt  }
0x74: {  	_ =	shalt  }
0x75: {  	_ =	shalt  }
0x76: {  	_ =	shalt  }
0x77: {  	_ =	shalt  }
0x78: {  	_ =	shalt  }
0x79: {  	_ =	shalt  }
0x7a: {  	_ =	shalt  }
0x7b: {  	_ =	shalt  }
0x7c: {  	_ =	shalt  }
0x7d: {  	_ =	shalt  }
0x7e: {  	_ =	shalt  }
0x7f: {  	_ =	shalt  }
0x80: {  	_ =	shalt  }
0x81: {  	_ =	shalt  }
0x82: {  	_ =	shalt  }
0x83: {  	_ =	shalt  }
0x84: {  	_ =	shalt  }
0x85: {  	_ =	shalt  }
0x86: {  	_ =	shalt  }
0x87: {  	_ =	shalt  }
.Lfunc_end0:
.L_simem_size_0:
called_computation_lowered:
.L_overlay_start_0:
0x88: {  	s2 =	sld [smem:$0x3FD9]  }
0x89: {  	s3 =	sld [smem:$0x3FFE];
	_ =	sdelay $0x1  }
0x8a: {  	s1 =	srdreg.scid  }
0x8b: {  	s0 =	sand.u32 $0x1, s1  }
0x8c: {  	s16 =	sshll.u32 s0, $0xA;
	s2 =	sadd.s32 s3, s2  }
0x8d: {  	s2 =	sadd.s32 s2, s16  }
0x8e: {  	[smem:$0x3FC2] =	sst s2  }
0x8f: {  	_ = 	snop  }
0x90: {  	(tm) =	ssettm $0x1  }
0x91: {  	s17 =	sld [smem:$0x3FFB];
	_ =	sdelay $0x3  }
0x92: {  	_ =	strace s17  }
0x93: {  	s2 =	sld [smem:$0x3FFC];
	_ =	sdelay $0x3  }
0x94: {  	_ =	strace s2  }
0x95: {  	s2 =	sld [smem:$0x3FFD];
	_ =	sdelay $0x3  }
0x96: {  	_ =	strace s2  }
0x97: {  	_ =	strace $0x8FFFFFFF  }
0x98: {  	s18 =	sld [smem:$0x3FDB];
	_ =	sdelay $0x1  }
0x99: {  	s19 =	simm.s32 $_scs_section_size  }
0x9a: {  	s4 =	simm.s32 $_size__tile_overlayer_lowered;
	s5 =	simm.s32 $_tile_overlayer_lowered  }
0x9b: {  	s22 =	simm.s32 $0x1BFF;
	s21 =	sshll.u32 s5, $0x1;
	s2 =	sadd.s32 s19, s18  }
0x9c: {  	s6 =	simm.s32 $0x0;
	s20 =	sshll.u32 s4, $0x1;
	s4 =	sadd.s32 s21, s2  }
0x9d: {  	[timem:s6], [sflag:s22] =	dma.local [hbm:s4], s20  }
0x9e: {  	_ =	swait.ge [sflag:s22], s20  }
0x9f: {  	s3 =	ssub.s32 $0x0, s20;
	[sflag:s22] =	ssyncset.done $0x0  }
0xa0: {  	[sflag:s22] =	ssyncadd.s32 s3;
	_ =	sdelay $0x1  }
0xa1: {  	s23 =	simm.s32 $0x1B8B  }
0xa2: {  	_ =	swait.ge [sflag:s23], $0x1  }
0xa3: {  	[sflag:s23] =	ssyncset.done $0x0  }
0xa4: {  	s25 =	simm.s32 $0x1B8E;
	s24 =	sld [smem:$0x3FFE];
	[sflag:s23] =	ssyncadd.s32 $0xFFFFFFFF  }
0xa5: {  	s26 =	simm.s32 $execute0_lowered;
	[smem:$0x3FD2] =	sst s25  }
0xa6: {  	s4 =	sshll.u32 s26, $0x1;
	_ =	strace $0x80000046;
	[dreg:$0x1] =	wrdreg $0xFFFFFFFF  }
0xa7: {  	s28 =	simm.s32 $_size_execute0_lowered;
	s2 =	sadd.s32 s2, s4;
	[dreg:$0x0] =	wrdreg $0x0  }
0xa8: {  	s4 =	sshll.u32 s28, $0x1;
	[dreg:$0x2] =	wrdreg s2  }
0xa9: {  	[dreg:$0x3] =	wrdreg s4  }
0xaa: {  	[dreg:$0x4] =	wrdreg $0xC0  }
0xab: {  	_ =	task [dreg:s6], $0x5FFFF  }
0xac: {  	[dreg:$0x1] =	wrdreg $0xFFFFFFFF  }
0xad: {  	[dreg:$0x0] =	wrdreg $0x60  }
0xae: {  	[dreg:$0x2] =	wrdreg s24  }
0xaf: {  	[dreg:$0x3] =	wrdreg $0x9  }
0xb0: {  	_ =	task.clear_ibuf [dreg:s6], $0x4FFFF;
	_ =	strace $0x90000046  }
0xb1: {  	s29 =	simm.s32 $0x9;
	_ =	strace $0x80000048  }
0xb2: {  	_ =	swait.ge [sflag:s29], $0x1  }
0xb3: {  	[sflag:s29] =	ssyncadd.s32 $0xFFFFFFFF  }
0xb4: {  	_ =	strace $0x90000048  }
0xb5: {  	_ =	sfence  }
0xb6: {  	s30 =	sld [smem:$0x0];
	_ =	sdelay $0x2  }
0xb7: {  	s31 =	sshll.u32 s1, $0xD;
	s1 =	sshrl.u32 s1, $0x2  }
0xb8: {  	s3 =	sand.u32 $0x4000, s31;
	s1 =	sadd.s32 s1, s30  }
0xb9: {  	s0 =	sor.u32 s3, s0;
	s1 =	sshll.u32 s1, $0x11  }
0xba: {  	s0 =	sor.u32 s1, s0  }
0xbb: {  	s0 =	sadd.s32 $0x8F2B, s0  }
0xbc: {  	[sflag:s0] =	ssyncadd.remote.s32 $0x1  }
0xbd: {  	_ =	sfence.sel $0xFFFF  }
0xbe: {  	[dreg:$0x0] =	wrdreg $0xFFFFFFFF;
	(pc) =	sbr.abs _section_cstart, $3  }
0xbf: {  	[dreg:$0x1] =	wrdreg $0xFFFFFFFF  }
0xc0: {  	_ =	task.clear_ibuf [dreg:s6], $0x2FFFF;
	_ =	strace $0x9FFFFFFF  }
0xc1: {  	(tm) =	ssettm $0x7FFFFFFF  }
tec
execute0_lowered:
.L_overlay_start_1:
0x0: {  	(tag) =	ssettag $0x1  }
0x1: {  	s1 =	srdreg.scid  }
0x2: {  	s0 =	stileid.u32;
	s5 =	rddreg [dreg:$0x0]  }
0x3: {  	s2 =	simm.s32 $0x0;
	s8 =	simm.s32 $0x80;
	s9 =	simm.s32 $0x400  }
0x4: {  	s10 =	simm.s32 $0x0;
	s3 =	sand.u32 $0x1, s1;
	s29 =	sshll.u32 s0, $0x1  }
0x5: {  	s30 =	sshrl.u32 s0, $0x2;
	s1 =	rddreg [dreg:$0x1];
	s4 =	sor.u32 s3, s29  }
0x6: {  	[smem:$0x7FF] =	sst s2;
	s6 =	smul.u32 $0x14000, s30;
	s7 =	sshll.u32 s4, $0x7  }
0x7: {  	s3 =	ssub.s32 $0x2, s3;
	s4 =	smul.u32 $0x500, s4;
	s7 =	sand.u32 $0x380, s7  }
0x8: {  	_ =	strace $0x80000047;
	s31 =	sshrl.u32 s3, $0x1;
	s6 =	sor.u32 s6, s7  }
0x9: {  	s4 =	sadd.s32 s4, s5;
	s7 =	simm.s32 $0x2800;
	s6 =	sshrl.u32 s6, $0x3  }
0xa: {  	s5 =	sadd.s32 s6, s5;
	s6 =	ssub.s32 s3, s31;
	s3 =	sadd.s32 $0x1800, s4  }
0xb: {  	v0 =	vimm.f32 $0.0e+00;
	v1 =	vimm.f32 $1.000000000e+00;
	s4 =	sadd.s32 $0xB800, s5;
	s5 =	smax.u32 s6, $0x1;
	s6 =	simm.s32 $0x1  }
.LBB2_1:
0xc: {  	[tilespmem:s2], [sflag:$0x1] =	stream.linear.gather [hbm4b:s3+s2], $0x2800, $0x38;
	[tilespmem:$0x5000] =	vst v63  }
0xd: {  	_ =	swait.ge [sflag:s6], $0x2800  }
0xe: {  	[sflag:s6] =	ssyncset.done $0x0  }
0xf: {  	s11 =	simm.s32 $0x0;
	[sflag:s6] =	ssyncadd.s32 $0xFFFFD800  }
.LBB2_2:
0x10: {  	p0 =	sne.s32 s11, $0x9F00  }
.Ltmp0:
0x11: {  	s12 =	sshra.s32 s11, $0x2;
	(pc) =	sbr.rel @p0 .LBB2_2-.Ltmp0, $4  }
0x12: {  	[tilespmem:s12+$0x2800] =	vst v0  }
0x13: {  	[tilespmem:s12+$0x2810] =	vst v0  }
0x14: {  	[tilespmem:s12+$0x2820] =	vst v0  }
0x15: {  	s11 =	sadd.s32 $0x100, s11;
	[tilespmem:s12+$0x2830] =	vst v0  }
0x16: {  	s11 =	simm.s32 $0x0  }
.LBB2_4:
0x17: {  	s12 =	sshra.s32 s11, $0x2  }
0x18: {  	v2 =	vld [tilespmem:s12+$0x0];
	_ =	sdelay $0x7  }
0x19: {  	[tilespmem:v2+s7+$0x0] =	vst.idx.add.f32.msk $0xffff, v1  }
0x1a: {  	v2 =	vld [tilespmem:s12+$0x10];
	_ =	sdelay $0x7  }
0x1b: {  	[tilespmem:v2+s7+$0x0] =	vst.idx.add.f32.msk $0xffff, v1  }
0x1c: {  	v2 =	vld [tilespmem:s12+$0x20];
	_ =	sdelay $0x7  }
0x1d: {  	[tilespmem:v2+s7+$0x0] =	vst.idx.add.f32.msk $0xffff, v1  }
0x1e: {  	v2 =	vld [tilespmem:s12+$0x30];
	_ =	sdelay $0x2  }
0x1f: {  	p0 =	sne.s32 s11, $0x9F00  }
.Ltmp1:
0x20: {  	_ = 	snop;
	(pc) =	sbr.rel @p0 .LBB2_4-.Ltmp1, $2  }
0x21: {  	_ =	sdelay $0x2  }
0x22: {  	s11 =	sadd.s32 $0x100, s11;
	[tilespmem:v2+s7+$0x0] =	vst.idx.add.f32.msk $0xffff, v1  }
0x23: {  	s10 =	sadd.s32 $0x1, s10  }
0x24: {  	p0 =	sne.s32 s10, s5  }
.Ltmp2:
0x25: {  	_ = 	snop;
	(pc) =	sbr.rel @p0 .LBB2_1-.Ltmp2, $4  }
0x26: {  	[hbm4b:s4+s8] =	stream.strided.scatter [tilespmem:s7], [sflag:$0x1], $0x2800, s9, s8, $0x38;
	[tilespmem:$0x5000] =	vst v63  }
0x27: {  	_ =	swait.ge [sflag:s6], $0x2800  }
0x28: {  	[sflag:s6] =	ssyncset.done $0x0  }
0x29: {  	[sflag:s6] =	ssyncadd.s32 $0xFFFFD800  }
0x2a: {  	_ =	sfence.sel $0x180000  }
0x2b: {  	[bflag:$0x0] =	sbarrier.arrive $0xFFFF  }
0x2c: {  	p0 =	sne.s32 s0, $0x0;
	_ =	strace $0x90000047  }
0x2d: {  	s0 =	sadd.s32 @!p0 $0x100000, s1;
	[bflag:$0x2] =	sbarrier.arrive $0xFFFF  }
0x2e: {  	[sflag:s0] =	ssyncadd.tile.s32 @!p0 $0x1;
	_ =	shalt  }
.Lfunc_end2:
_tile_overlayer_lowered:
.L_overlay_start_2:
0x2f: {  	(tag) =	ssettag $0x2  }
0x30: {  	s0 =	rddreg [dreg:$0x0];
	s2 =	stileid.u32  }
0x31: {  	s1 =	rddreg [dreg:$0x1];
	p0 =	sne.s32 s2, $0x0  }
0x32: {  	s3 =	rddreg [dreg:$0x2];
	[bflag:$0x3] =	sbarrier.arrive $0xFFFF;
	s2 =	simm.s32 @!p0 $0x1C01  }
0x33: {  	[timem:s3], [sflag:s2] =	dma.local @!p0 [hbm:s0], s1  }
0x34: {  	s0 =	simm.s32 @!p0 $0x1  }
0x35: {  	_ =	swait.ge @!p0 [sflag:s0], s1  }
0x36: {  	s1 =	ssub.s32 @!p0 $0x0, s1;
	[sflag:s0] =	ssyncset.done @!p0 $0x0  }
0x37: {  	[sflag:s0] =	ssyncadd.s32 @!p0 s1  }
0x38: {  	[bflag:$0x3] =	sbarrier.arrive $0xFFFF  }
0x39: {  	_ =	shalt  }

</sc_bundles>
